<compile_context>
chip_gen: v7x
topology: tpu7x:2x2x1
jax: 0.10.2.dev20260603
libtpu: 0.0.44.dev20260713+nightly
codegen_flags: <defaults>
</compile_context>

<pallas_src>
import functools

import numpy as np
import jax
import jax.numpy as jnp
from jax import lax
from jax.experimental import pallas as pl
from jax.experimental.pallas import tpu as pltpu
from jax.experimental.pallas import tpu_sc as plsc

RES = 32
CH = 4
PS = 3
PD = 108
B = 4
S = 2048
DIN = 64
NPTS = B * S
NTAP = PS ** 3
PAYW = 8
ROWS = NPTS * NTAP
GRID_ROWS = B * RES ** 3
HALF = GRID_ROWS // 2

NTILES = 32
PT = ROWS // NTILES
CHUNK = 128
NCHUNK = PT // CHUNK
IDX_MAJ = ROWS // CHUNK

MLP_BLK = 1024
PROJ_BLK = 4096

_PMAP = np.zeros((PD, NTAP * PAYW), np.float32)
for _j in range(PD):
    _PMAP[_j, PAYW * (_j // 4) + (_j // 27)] = 1.0
_MVEC = np.zeros((NTAP * PAYW,), np.float32)
for _j in range(NTAP):
    _MVEC[PAYW * (_j // 4) + 4] += 1.0


def _gelu(v):
    return 0.5 * v * (1.0 + lax.erf(v * np.float32(0.7071067811865476)))


def _mlp_body(pos_ref, x_ref, w1_ref, b1_ref, w2_ref, b2_ref, wf_ref, bf_ref,
              u_ref, idx_ref):
    h = jnp.dot(x_ref[...], w1_ref[...], preferred_element_type=jnp.float32)
    h = _gelu(h + b1_ref[...])
    h = jnp.dot(h, w2_ref[...], preferred_element_type=jnp.float32)
    h = _gelu(h + b2_ref[...])
    u = jnp.dot(h, wf_ref[...], preferred_element_type=jnp.float32)
    u_ref[...] = u + bf_ref[...]

    blk = pos_ref.shape[0]
    pid = pl.program_id(0) * blk + lax.broadcasted_iota(jnp.int32, (blk, 1), 0)
    vx = (pos_ref[:, 0:1] * RES).astype(jnp.int32)
    vy = (pos_ref[:, 1:2] * RES).astype(jnp.int32)
    vz = (pos_ref[:, 2:3] * RES).astype(jnp.int32)
    o = lax.broadcasted_iota(jnp.int32, (blk, NTAP), 1)
    cx = jnp.clip(vx + (o // 3) % 3 - 1, 0, RES - 1)
    cy = jnp.clip(vy + o // 9 - 1, 0, RES - 1)
    cz = jnp.clip(vz + o % 3 - 1, 0, RES - 1)
    half = ((pid >> 11) & 1) << 15
    idx_ref[...] = (cx * RES + cy) * RES + cz + half


def _run_mlp(positions2, x2, W1, b1, W2, b2, Wf2, bf2, interpret=False):
    nblk = NPTS // MLP_BLK
    full = lambda i: (0, 0)
    return pl.pallas_call(
        _mlp_body,
        grid=(nblk,),
        in_specs=[
            pl.BlockSpec((MLP_BLK, 3), lambda i: (i, 0)),
            pl.BlockSpec((MLP_BLK, DIN), lambda i: (i, 0)),
            pl.BlockSpec((DIN, PD * 8), full),
            pl.BlockSpec((1, PD * 8), full),
            pl.BlockSpec((PD * 8, PD * 4), full),
            pl.BlockSpec((1, PD * 4), full),
            pl.BlockSpec((PD * 4, NTAP * PAYW), full),
            pl.BlockSpec((1, NTAP * PAYW), full),
        ],
        out_specs=[
            pl.BlockSpec((MLP_BLK, NTAP * PAYW), lambda i: (i, 0)),
            pl.BlockSpec((MLP_BLK, NTAP), lambda i: (i, 0)),
        ],
        out_shape=[
            jax.ShapeDtypeStruct((NPTS, NTAP * PAYW), jnp.float32),
            jax.ShapeDtypeStruct((NPTS, NTAP), jnp.int32),
        ],
        interpret=interpret,
    )(positions2, x2, W1, b1, W2, b2, Wf2, bf2)


def _sc_scatter_body(u_hbm, idx_hbm, zeros_hbm, out_hbm, pay_v, idx_v, grid_sh,
                     sem_in, sem_sc):
    c = lax.axis_index("c")
    s = lax.axis_index("s")
    tile = c * 16 + s
    zrows = HALF // 16
    row0 = tile * PT
    d0 = pltpu.async_copy(u_hbm.at[pl.ds(row0, PT)], pay_v, sem_in)
    d1 = pltpu.async_copy(idx_hbm.at[tile], idx_v, sem_in)
    d2 = pltpu.async_copy(zeros_hbm.at[pl.ds(s * zrows, zrows)],
                          grid_sh.at[pl.ds(s * zrows, zrows)], sem_in)
    d0.wait()
    d1.wait()
    d2.wait()
    plsc.subcore_barrier()

    def group(g, carry):
        ds = []
        for k in range(6):
            j = g * 6 + k
            ds.append(pltpu.async_copy(pay_v.at[pl.ds(j * CHUNK, CHUNK)],
                                       grid_sh.at[idx_v.at[j]], sem_sc,
                                       add=True))
        for d in ds:
            d.wait()
        return carry

    lax.fori_loop(0, NCHUNK // 6, group, 0)
    plsc.subcore_barrier()
    out0 = c * HALF + s * zrows
    pltpu.sync_copy(grid_sh.at[pl.ds(s * zrows, zrows)],
                    out_hbm.at[pl.ds(out0, zrows)])


def _make_sc_scatter():
    return pl.kernel(
        _sc_scatter_body,
        mesh=plsc.VectorSubcoreMesh(core_axis_name="c", subcore_axis_name="s"),
        out_type=jax.ShapeDtypeStruct((GRID_ROWS, PAYW), jnp.float32),
        compiler_params=pltpu.CompilerParams(use_tc_tiling_on_sc=False),
        scratch_types=[
            pltpu.VMEM((PT, PAYW), jnp.float32),
            pltpu.VMEM((NCHUNK, CHUNK), jnp.int32),
            pltpu.VMEM_SHARED((HALF, PAYW), jnp.float32),
            pltpu.SemaphoreType.DMA,
            pltpu.SemaphoreType.DMA,
        ],
    )


def _proj_body(g_ref, wt_ref, bp_ref, o_ref):
    wblk = PROJ_BLK // 16
    x = g_ref[...]
    a = jnp.broadcast_to(x[:, None, :], (wblk, 16, 128)).reshape(PROJ_BLK, 128)
    r = lax.broadcasted_iota(jnp.int32, (PROJ_BLK, 128), 0)
    j = lax.broadcasted_iota(jnp.int32, (PROJ_BLK, 128), 1)
    m = (j // PAYW == r % 16).astype(jnp.float32)
    o_ref[...] = (jnp.dot(a * m, wt_ref[...],
                          preferred_element_type=jnp.float32) + bp_ref[...])


def _run_proj(grid_wide, Wtile, bp2, interpret=False):
    nblk = GRID_ROWS // PROJ_BLK
    wblk = PROJ_BLK // 16
    return pl.pallas_call(
        _proj_body,
        grid=(nblk,),
        in_specs=[
            pl.BlockSpec((wblk, 128), lambda i: (i, 0)),
            pl.BlockSpec((128, PD), lambda i: (0, 0)),
            pl.BlockSpec((1, PD), lambda i: (0, 0)),
        ],
        out_specs=pl.BlockSpec((PROJ_BLK, PD), lambda i: (i, 0)),
        out_shape=jax.ShapeDtypeStruct((GRID_ROWS, PD), jnp.float32),
        interpret=interpret,
    )(grid_wide, Wtile, bp2)


def kernel(positions, x, W1, b1, W2, b2, Wf, bf, Wp, bp):
    pmap = jnp.asarray(_PMAP)
    Wf2 = Wf @ pmap
    bf2 = (bf @ pmap + jnp.asarray(_MVEC)).reshape(1, -1)
    positions2 = positions.reshape(NPTS, 3)
    x2 = x.reshape(NPTS, DIN)

    u, idx = _run_mlp(positions2, x2, W1, b1.reshape(1, -1), W2,
                      b2.reshape(1, -1), Wf2, bf2)
    u_rows = u.reshape(ROWS, PAYW)
    idx_rows = idx.reshape(NTILES, NCHUNK, CHUNK)
    zeros = jnp.zeros((HALF, PAYW), jnp.float32)

    grid8 = _make_sc_scatter()(u_rows, idx_rows, zeros)

    Wp8 = jnp.concatenate([Wp, jnp.zeros((PAYW - CH - 1, PD), Wp.dtype)], axis=0)
    Wtile = jnp.tile(Wp8, (16, 1))
    out = _run_proj(grid8.reshape(GRID_ROWS * PAYW // 128, 128), Wtile,
                    bp.reshape(1, -1))
    return out.reshape(B, RES, RES, RES, PD)

# --- scband reference (transcript-rebuilt; emitter-appended) ---
"""Pipeline reference for scband-scatter-and-avg3-d-31353261261001 (READ-ONLY COPY).

The authoritative reference and input builder live on the scoring server;
editing this copy changes nothing except your own understanding.
"""

import jax, jax.numpy as jnp
import numpy as np

RES = 32
CH = 4
PS = 3
PD = 108  # must equal CH * PS**3
B = 4
S = 2048
DIN = 64


def setup_inputs(seed: int = 0) -> dict:
    key = jax.random.key(seed)
    ks = jax.random.split(key, 12)
    positions = jax.random.uniform(ks[0], (B, S, 3), dtype=jnp.float32)
    x = jax.random.normal(ks[1], (B, S, DIN), dtype=jnp.float32)
    W1 = jax.random.normal(ks[2], (DIN, PD * 8), dtype=jnp.float32) * 0.02
    b1 = jnp.zeros((PD * 8,), dtype=jnp.float32)
    W2 = jax.random.normal(ks[3], (PD * 8, PD * 4), dtype=jnp.float32) * 0.02
    b2 = jnp.zeros((PD * 4,), dtype=jnp.float32)
    Wf = jax.random.normal(ks[4], (PD * 4, PD), dtype=jnp.float32) * 0.02
    bf = jnp.zeros((PD,), dtype=jnp.float32)
    Wp = jax.random.normal(ks[5], (CH + 1, PD), dtype=jnp.float32) * 0.02
    bp = jnp.zeros((PD,), dtype=jnp.float32)
    return {"positions": positions, "x": x, "W1": W1, "b1": b1, "W2": W2,
            "b2": b2, "Wf": Wf, "bf": bf, "Wp": Wp, "bp": bp}


def reference(positions, x, W1, b1, W2, b2, Wf, bf, Wp, bp):
    # constants (mirror tf.meshgrid default 'xy' indexing)
    r = jnp.arange(PS, dtype=jnp.int32)
    offsets = jnp.stack(jnp.meshgrid(r, r, r), axis=-1).reshape(-1, 3) - (PS // 2)
    ch_idx = jnp.repeat(jnp.arange(CH, dtype=jnp.int32), PS ** 3)[:, None]

    # projection MLP: Dense(PD*8, gelu) -> Dense(PD*4, gelu) -> Dense(PD)
    h = jax.nn.gelu(x @ W1 + b1, approximate=False)
    h = jax.nn.gelu(h @ W2 + b2, approximate=False)
    h = h @ Wf + bf  # [B, S, PD]

    pos = (positions * RES).astype(jnp.int32)[..., None, :]        # [B,S,1,3]
    pos = jnp.repeat(pos, PS ** 3, axis=-2)                         # [B,S,27,3]
    pos = jnp.clip(pos + offsets, 0, RES - 1)
    pos = jnp.repeat(pos, CH, axis=-2)                              # [B,S,108,3]

    n = pos.shape[2]
    bi = jnp.arange(B, dtype=jnp.int32).reshape(-1, 1, 1, 1)
    bi = jnp.broadcast_to(bi, (B, S, n, 1))
    ci = jnp.broadcast_to(ch_idx, (B, S, n, 1))
    indices = jnp.concatenate([bi, pos, ci], axis=-1).reshape(-1, 5)  # [B*S*108, 5]

    features = h.reshape(-1)
    i0, i1, i2, i3, i4 = (indices[:, 0], indices[:, 1], indices[:, 2],
                          indices[:, 3], indices[:, 4])
    grid = jnp.zeros((B, RES, RES, RES, CH), jnp.float32).at[i0, i1, i2, i3, i4].add(features)
    counts = jnp.zeros((B, RES, RES, RES, CH), jnp.float32).at[i0, i1, i2, i3, i4].add(jnp.ones_like(features))

    out = jnp.concatenate([grid, counts[..., 0:1]], axis=-1) @ Wp + bp
    return out

if __name__ == "__main__":
    import jax
    _d = setup_inputs()
    print(jax.jit(kernel)(*tuple(_d.values())))

</pallas_src>

<mosaic_0001>
#map = affine_map<(d0, d1) -> (0, 0)>
#map1 = affine_map<(d0, d1) -> (0, 0, 0)>
module attributes {stable_mosaic.version = 14 : i64} {
  func.func @_sc_scatter_body(%arg0: i32, %arg1: i32, %arg2: memref<221184x8xf32, #tpu.memory_space<hbm>>, %arg3: memref<32x54x128xi32, #tpu.memory_space<hbm>>, %arg4: memref<65536x8xf32, #tpu.memory_space<hbm>>, %arg5: memref<131072x8xf32, #tpu.memory_space<hbm>>, %arg6: memref<6912x8xf32, #tpu.memory_space<vmem>>, %arg7: memref<54x128xi32, #tpu.memory_space<vmem>>, %arg8: memref<65536x8xf32, #tpu.memory_space<vmem_shared>>, %arg9: memref<!tpu.dma_semaphore, #tpu.memory_space<semaphore_mem>>, %arg10: memref<!tpu.dma_semaphore, #tpu.memory_space<semaphore_mem>>) attributes {dimension_semantics = [#tpu.dimension_semantics<core_parallel>, #tpu.dimension_semantics<subcore_parallel>], iteration_bounds = array<i64: 2, 16>, scalar_prefetch = 0 : i64, scratch_operands = 5 : i64, tpu.core_type = #tpu.core_type<sc_vector_subcore>, window_params = [{transform_indices = #map}, {transform_indices = #map1}, {transform_indices = #map}, {transform_indices = #map}]} {
    %mul3A = arith.constant 16 : i32
    %mul3A_0 = arith.muli %arg0, %mul3A : i32
    %add3A = arith.addi %mul3A_0, %arg1 : i32
    %mul3A_1 = arith.constant 6912 : i32
    %mul3A_2 = arith.muli %add3A, %mul3A_1 : i32
    %dma_start3A = arith.constant 0 : i32
    %dma_start3A_3 = tpu.memref_slice %arg2[%mul3A_2, %dma_start3A] : memref<221184x8xf32, #tpu.memory_space<hbm>> -> memref<6912x8xf32, #tpu.memory_space<hbm>>
    %dma_start3A_4 = arith.constant 0 : i32
    %dma_start3A_5 = tpu.memref_slice %arg2[%mul3A_2, %dma_start3A_4] : memref<221184x8xf32, #tpu.memory_space<hbm>> -> memref<6912x8xf32, #tpu.memory_space<hbm>>
    tpu.enqueue_dma source(%dma_start3A_5 : memref<6912x8xf32, #tpu.memory_space<hbm>>) target(%arg6 : memref<6912x8xf32, #tpu.memory_space<vmem>>) target_semaphore(%arg9 : memref<!tpu.dma_semaphore, #tpu.memory_space<semaphore_mem>>)
    %dma_start3A_6 = arith.constant 0 : i32
    %dma_start3A_7 = arith.constant 0 : i32
    %dma_start3A_8 = tpu.memref_slice %arg3[%add3A, %dma_start3A_6, %dma_start3A_7] : memref<32x54x128xi32, #tpu.memory_space<hbm>> -> memref<1x54x128xi32, #tpu.memory_space<hbm>>
    %dma_start3A_9 = tpu.memref_squeeze %dma_start3A_8 : memref<1x54x128xi32, #tpu.memory_space<hbm>> -> memref<54x128xi32, #tpu.memory_space<hbm>>
    %dma_start3A_10 = arith.constant 0 : i32
    %dma_start3A_11 = arith.constant 0 : i32
    %dma_start3A_12 = tpu.memref_slice %arg3[%add3A, %dma_start3A_10, %dma_start3A_11] : memref<32x54x128xi32, #tpu.memory_space<hbm>> -> memref<1x54x128xi32, #tpu.memory_space<hbm>>
    %dma_start3A_13 = tpu.memref_squeeze %dma_start3A_12 : memref<1x54x128xi32, #tpu.memory_space<hbm>> -> memref<54x128xi32, #tpu.memory_space<hbm>>
    tpu.enqueue_dma source(%dma_start3A_13 : memref<54x128xi32, #tpu.memory_space<hbm>>) target(%arg7 : memref<54x128xi32, #tpu.memory_space<vmem>>) target_semaphore(%arg9 : memref<!tpu.dma_semaphore, #tpu.memory_space<semaphore_mem>>)
    %mul3A_14 = arith.constant 4096 : i32
    %mul3A_15 = arith.muli %arg1, %mul3A_14 : i32
    %mul3A_16 = arith.constant 4096 : i32
    %mul3A_17 = arith.muli %arg1, %mul3A_16 : i32
    %dma_start3A_18 = arith.constant 0 : i32
    %dma_start3A_19 = tpu.memref_slice %arg8[%mul3A_17, %dma_start3A_18] : memref<65536x8xf32, #tpu.memory_space<vmem_shared>> -> memref<4096x8xf32, #tpu.memory_space<vmem_shared>>
    %dma_start3A_20 = arith.constant 0 : i32
    %dma_start3A_21 = tpu.memref_slice %arg4[%mul3A_15, %dma_start3A_20] : memref<65536x8xf32, #tpu.memory_space<hbm>> -> memref<4096x8xf32, #tpu.memory_space<hbm>>
    tpu.enqueue_dma source(%dma_start3A_21 : memref<4096x8xf32, #tpu.memory_space<hbm>>) target(%dma_start3A_19 : memref<4096x8xf32, #tpu.memory_space<vmem_shared>>) target_semaphore(%arg9 : memref<!tpu.dma_semaphore, #tpu.memory_space<semaphore_mem>>)
    %dma_wait3A = arith.constant 0 : i32
    %dma_wait3A_22 = tpu.memref_slice %arg2[%mul3A_2, %dma_wait3A] : memref<221184x8xf32, #tpu.memory_space<hbm>> -> memref<6912x8xf32, #tpu.memory_space<hbm>>
    %dma_wait3A_23 = arith.constant 0 : i32
    %dma_wait3A_24 = tpu.memref_slice %arg2[%mul3A_2, %dma_wait3A_23] : memref<221184x8xf32, #tpu.memory_space<hbm>> -> memref<6912x8xf32, #tpu.memory_space<hbm>>
    tpu.wait_dma2 semaphore(%arg9 : memref<!tpu.dma_semaphore, #tpu.memory_space<semaphore_mem>>) src(%dma_wait3A_24 : memref<6912x8xf32, #tpu.memory_space<hbm>>) dst(%arg6 : memref<6912x8xf32, #tpu.memory_space<vmem>>)
    %dma_wait3A_25 = arith.constant 0 : i32
    %dma_wait3A_26 = arith.constant 0 : i32
    %dma_wait3A_27 = tpu.memref_slice %arg3[%add3A, %dma_wait3A_25, %dma_wait3A_26] : memref<32x54x128xi32, #tpu.memory_space<hbm>> -> memref<1x54x128xi32, #tpu.memory_space<hbm>>
    %dma_wait3A_28 = tpu.memref_squeeze %dma_wait3A_27 : memref<1x54x128xi32, #tpu.memory_space<hbm>> -> memref<54x128xi32, #tpu.memory_space<hbm>>
    %dma_wait3A_29 = arith.constant 0 : i32
    %dma_wait3A_30 = arith.constant 0 : i32
    %dma_wait3A_31 = tpu.memref_slice %arg3[%add3A, %dma_wait3A_29, %dma_wait3A_30] : memref<32x54x128xi32, #tpu.memory_space<hbm>> -> memref<1x54x128xi32, #tpu.memory_space<hbm>>
    %dma_wait3A_32 = tpu.memref_squeeze %dma_wait3A_31 : memref<1x54x128xi32, #tpu.memory_space<hbm>> -> memref<54x128xi32, #tpu.memory_space<hbm>>
    tpu.wait_dma2 semaphore(%arg9 : memref<!tpu.dma_semaphore, #tpu.memory_space<semaphore_mem>>) src(%dma_wait3A_32 : memref<54x128xi32, #tpu.memory_space<hbm>>) dst(%arg7 : memref<54x128xi32, #tpu.memory_space<vmem>>)
    %dma_wait3A_33 = arith.constant 0 : i32
    %dma_wait3A_34 = tpu.memref_slice %arg8[%mul3A_17, %dma_wait3A_33] : memref<65536x8xf32, #tpu.memory_space<vmem_shared>> -> memref<4096x8xf32, #tpu.memory_space<vmem_shared>>
    %dma_wait3A_35 = arith.constant 0 : i32
    %dma_wait3A_36 = tpu.memref_slice %arg4[%mul3A_15, %dma_wait3A_35] : memref<65536x8xf32, #tpu.memory_space<hbm>> -> memref<4096x8xf32, #tpu.memory_space<hbm>>
    tpu.wait_dma2 semaphore(%arg9 : memref<!tpu.dma_semaphore, #tpu.memory_space<semaphore_mem>>) src(%dma_wait3A_36 : memref<4096x8xf32, #tpu.memory_space<hbm>>) dst(%dma_wait3A_34 : memref<4096x8xf32, #tpu.memory_space<vmem_shared>>)
    %barrier3A = arith.constant 0 : index
    tpu.barrier barrier_id(%barrier3A)
    %scan3A = arith.constant 0 : i32
    %scan3A_37 = arith.constant 0 : i32
    %scan3A_38 = arith.constant 9 : i32
    %scan3A_39 = arith.addi %scan3A_37, %scan3A_38 : i32
    %scan3A_40 = arith.constant 1 : i32
    scf.for %scan3A_50 = %scan3A_37 to %scan3A_39 step %scan3A_40  : i32 {
      %mul3A_51 = arith.constant 6 : i32
      %mul3A_52 = arith.muli %scan3A_50, %mul3A_51 : i32
      %add3A_53 = arith.constant 0 : i32
      %add3A_54 = arith.addi %mul3A_52, %add3A_53 : i32
      %mul3A_55 = arith.constant 128 : i32
      %mul3A_56 = arith.muli %add3A_54, %mul3A_55 : i32
      %dma_start3A_57 = arith.constant 0 : i32
      %dma_start3A_58 = tpu.memref_slice %arg6[%mul3A_56, %dma_start3A_57] : memref<6912x8xf32, #tpu.memory_space<vmem>> -> memref<128x8xf32, #tpu.memory_space<vmem>>
      %dma_start3A_59 = arith.constant 0 : i32
      %dma_start3A_60 = tpu.memref_slice %arg7[%add3A_54, %dma_start3A_59] : memref<54x128xi32, #tpu.memory_space<vmem>> -> memref<1x128xi32, #tpu.memory_space<vmem>>
      %dma_start3A_61 = tpu.memref_squeeze %dma_start3A_60 : memref<1x128xi32, #tpu.memory_space<vmem>> -> memref<128xi32, #tpu.memory_space<vmem>>
      %dma_start3A_62 = arith.constant 0 : i32
      %dma_start3A_63 = arith.constant 0 : i32
      %dma_start3A_64 = tpu.memref_slice %arg8[%dma_start3A_62, %dma_start3A_63] : memref<65536x8xf32, #tpu.memory_space<vmem_shared>> -> memref<65536x8xf32, #tpu.memory_space<vmem_shared>>
      tpu.enqueue_indirect_dma source(%dma_start3A_58 : memref<128x8xf32, #tpu.memory_space<vmem>>) target(%dma_start3A_64 : memref<65536x8xf32, #tpu.memory_space<vmem_shared>>) offsets(%dma_start3A_61 : memref<128xi32, #tpu.memory_space<vmem>>) semaphore(%arg10 : memref<!tpu.dma_semaphore, #tpu.memory_space<semaphore_mem>>) {add = true}
      %mul3A_65 = arith.constant 6 : i32
      %mul3A_66 = arith.muli %scan3A_50, %mul3A_65 : i32
      %add3A_67 = arith.constant 1 : i32
      %add3A_68 = arith.addi %mul3A_66, %add3A_67 : i32
      %mul3A_69 = arith.constant 128 : i32
      %mul3A_70 = arith.muli %add3A_68, %mul3A_69 : i32
      %dma_start3A_71 = arith.constant 0 : i32
      %dma_start3A_72 = tpu.memref_slice %arg6[%mul3A_70, %dma_start3A_71] : memref<6912x8xf32, #tpu.memory_space<vmem>> -> memref<128x8xf32, #tpu.memory_space<vmem>>
      %dma_start3A_73 = arith.constant 0 : i32
      %dma_start3A_74 = tpu.memref_slice %arg7[%add3A_68, %dma_start3A_73] : memref<54x128xi32, #tpu.memory_space<vmem>> -> memref<1x128xi32, #tpu.memory_space<vmem>>
      %dma_start3A_75 = tpu.memref_squeeze %dma_start3A_74 : memref<1x128xi32, #tpu.memory_space<vmem>> -> memref<128xi32, #tpu.memory_space<vmem>>
      %dma_start3A_76 = arith.constant 0 : i32
      %dma_start3A_77 = arith.constant 0 : i32
      %dma_start3A_78 = tpu.memref_slice %arg8[%dma_start3A_76, %dma_start3A_77] : memref<65536x8xf32, #tpu.memory_space<vmem_shared>> -> memref<65536x8xf32, #tpu.memory_space<vmem_shared>>
      tpu.enqueue_indirect_dma source(%dma_start3A_72 : memref<128x8xf32, #tpu.memory_space<vmem>>) target(%dma_start3A_78 : memref<65536x8xf32, #tpu.memory_space<vmem_shared>>) offsets(%dma_start3A_75 : memref<128xi32, #tpu.memory_space<vmem>>) semaphore(%arg10 : memref<!tpu.dma_semaphore, #tpu.memory_space<semaphore_mem>>) {add = true}
      %mul3A_79 = arith.constant 6 : i32
      %mul3A_80 = arith.muli %scan3A_50, %mul3A_79 : i32
      %add3A_81 = arith.constant 2 : i32
      %add3A_82 = arith.addi %mul3A_80, %add3A_81 : i32
      %mul3A_83 = arith.constant 128 : i32
      %mul3A_84 = arith.muli %add3A_82, %mul3A_83 : i32
      %dma_start3A_85 = arith.constant 0 : i32
      %dma_start3A_86 = tpu.memref_slice %arg6[%mul3A_84, %dma_start3A_85] : memref<6912x8xf32, #tpu.memory_space<vmem>> -> memref<128x8xf32, #tpu.memory_space<vmem>>
      %dma_start3A_87 = arith.constant 0 : i32
      %dma_start3A_88 = tpu.memref_slice %arg7[%add3A_82, %dma_start3A_87] : memref<54x128xi32, #tpu.memory_space<vmem>> -> memref<1x128xi32, #tpu.memory_space<vmem>>
      %dma_start3A_89 = tpu.memref_squeeze %dma_start3A_88 : memref<1x128xi32, #tpu.memory_space<vmem>> -> memref<128xi32, #tpu.memory_space<vmem>>
      %dma_start3A_90 = arith.constant 0 : i32
      %dma_start3A_91 = arith.constant 0 : i32
      %dma_start3A_92 = tpu.memref_slice %arg8[%dma_start3A_90, %dma_start3A_91] : memref<65536x8xf32, #tpu.memory_space<vmem_shared>> -> memref<65536x8xf32, #tpu.memory_space<vmem_shared>>
      tpu.enqueue_indirect_dma source(%dma_start3A_86 : memref<128x8xf32, #tpu.memory_space<vmem>>) target(%dma_start3A_92 : memref<65536x8xf32, #tpu.memory_space<vmem_shared>>) offsets(%dma_start3A_89 : memref<128xi32, #tpu.memory_space<vmem>>) semaphore(%arg10 : memref<!tpu.dma_semaphore, #tpu.memory_space<semaphore_mem>>) {add = true}
      %mul3A_93 = arith.constant 6 : i32
      %mul3A_94 = arith.muli %scan3A_50, %mul3A_93 : i32
      %add3A_95 = arith.constant 3 : i32
      %add3A_96 = arith.addi %mul3A_94, %add3A_95 : i32
      %mul3A_97 = arith.constant 128 : i32
      %mul3A_98 = arith.muli %add3A_96, %mul3A_97 : i32
      %dma_start3A_99 = arith.constant 0 : i32
      %dma_start3A_100 = tpu.memref_slice %arg6[%mul3A_98, %dma_start3A_99] : memref<6912x8xf32, #tpu.memory_space<vmem>> -> memref<128x8xf32, #tpu.memory_space<vmem>>
      %dma_start3A_101 = arith.constant 0 : i32
      %dma_start3A_102 = tpu.memref_slice %arg7[%add3A_96, %dma_start3A_101] : memref<54x128xi32, #tpu.memory_space<vmem>> -> memref<1x128xi32, #tpu.memory_space<vmem>>
      %dma_start3A_103 = tpu.memref_squeeze %dma_start3A_102 : memref<1x128xi32, #tpu.memory_space<vmem>> -> memref<128xi32, #tpu.memory_space<vmem>>
      %dma_start3A_104 = arith.constant 0 : i32
      %dma_start3A_105 = arith.constant 0 : i32
      %dma_start3A_106 = tpu.memref_slice %arg8[%dma_start3A_104, %dma_start3A_105] : memref<65536x8xf32, #tpu.memory_space<vmem_shared>> -> memref<65536x8xf32, #tpu.memory_space<vmem_shared>>
      tpu.enqueue_indirect_dma source(%dma_start3A_100 : memref<128x8xf32, #tpu.memory_space<vmem>>) target(%dma_start3A_106 : memref<65536x8xf32, #tpu.memory_space<vmem_shared>>) offsets(%dma_start3A_103 : memref<128xi32, #tpu.memory_space<vmem>>) semaphore(%arg10 : memref<!tpu.dma_semaphore, #tpu.memory_space<semaphore_mem>>) {add = true}
      %mul3A_107 = arith.constant 6 : i32
      %mul3A_108 = arith.muli %scan3A_50, %mul3A_107 : i32
      %add3A_109 = arith.constant 4 : i32
      %add3A_110 = arith.addi %mul3A_108, %add3A_109 : i32
      %mul3A_111 = arith.constant 128 : i32
      %mul3A_112 = arith.muli %add3A_110, %mul3A_111 : i32
      %dma_start3A_113 = arith.constant 0 : i32
      %dma_start3A_114 = tpu.memref_slice %arg6[%mul3A_112, %dma_start3A_113] : memref<6912x8xf32, #tpu.memory_space<vmem>> -> memref<128x8xf32, #tpu.memory_space<vmem>>
      %dma_start3A_115 = arith.constant 0 : i32
      %dma_start3A_116 = tpu.memref_slice %arg7[%add3A_110, %dma_start3A_115] : memref<54x128xi32, #tpu.memory_space<vmem>> -> memref<1x128xi32, #tpu.memory_space<vmem>>
      %dma_start3A_117 = tpu.memref_squeeze %dma_start3A_116 : memref<1x128xi32, #tpu.memory_space<vmem>> -> memref<128xi32, #tpu.memory_space<vmem>>
      %dma_start3A_118 = arith.constant 0 : i32
      %dma_start3A_119 = arith.constant 0 : i32
      %dma_start3A_120 = tpu.memref_slice %arg8[%dma_start3A_118, %dma_start3A_119] : memref<65536x8xf32, #tpu.memory_space<vmem_shared>> -> memref<65536x8xf32, #tpu.memory_space<vmem_shared>>
      tpu.enqueue_indirect_dma source(%dma_start3A_114 : memref<128x8xf32, #tpu.memory_space<vmem>>) target(%dma_start3A_120 : memref<65536x8xf32, #tpu.memory_space<vmem_shared>>) offsets(%dma_start3A_117 : memref<128xi32, #tpu.memory_space<vmem>>) semaphore(%arg10 : memref<!tpu.dma_semaphore, #tpu.memory_space<semaphore_mem>>) {add = true}
      %mul3A_121 = arith.constant 6 : i32
      %mul3A_122 = arith.muli %scan3A_50, %mul3A_121 : i32
      %add3A_123 = arith.constant 5 : i32
      %add3A_124 = arith.addi %mul3A_122, %add3A_123 : i32
      %mul3A_125 = arith.constant 128 : i32
      %mul3A_126 = arith.muli %add3A_124, %mul3A_125 : i32
      %dma_start3A_127 = arith.constant 0 : i32
      %dma_start3A_128 = tpu.memref_slice %arg6[%mul3A_126, %dma_start3A_127] : memref<6912x8xf32, #tpu.memory_space<vmem>> -> memref<128x8xf32, #tpu.memory_space<vmem>>
      %dma_start3A_129 = arith.constant 0 : i32
      %dma_start3A_130 = tpu.memref_slice %arg7[%add3A_124, %dma_start3A_129] : memref<54x128xi32, #tpu.memory_space<vmem>> -> memref<1x128xi32, #tpu.memory_space<vmem>>
      %dma_start3A_131 = tpu.memref_squeeze %dma_start3A_130 : memref<1x128xi32, #tpu.memory_space<vmem>> -> memref<128xi32, #tpu.memory_space<vmem>>
      %dma_start3A_132 = arith.constant 0 : i32
      %dma_start3A_133 = arith.constant 0 : i32
      %dma_start3A_134 = tpu.memref_slice %arg8[%dma_start3A_132, %dma_start3A_133] : memref<65536x8xf32, #tpu.memory_space<vmem_shared>> -> memref<65536x8xf32, #tpu.memory_space<vmem_shared>>
      tpu.enqueue_indirect_dma source(%dma_start3A_128 : memref<128x8xf32, #tpu.memory_space<vmem>>) target(%dma_start3A_134 : memref<65536x8xf32, #tpu.memory_space<vmem_shared>>) offsets(%dma_start3A_131 : memref<128xi32, #tpu.memory_space<vmem>>) semaphore(%arg10 : memref<!tpu.dma_semaphore, #tpu.memory_space<semaphore_mem>>) {add = true}
      %dma_wait3A_135 = arith.constant 0 : i32
      %dma_wait3A_136 = tpu.memref_slice %arg6[%mul3A_56, %dma_wait3A_135] : memref<6912x8xf32, #tpu.memory_space<vmem>> -> memref<128x8xf32, #tpu.memory_space<vmem>>
      %dma_wait3A_137 = arith.constant 0 : i32
      %dma_wait3A_138 = tpu.memref_slice %arg7[%add3A_54, %dma_wait3A_137] : memref<54x128xi32, #tpu.memory_space<vmem>> -> memref<1x128xi32, #tpu.memory_space<vmem>>
      %dma_wait3A_139 = tpu.memref_squeeze %dma_wait3A_138 : memref<1x128xi32, #tpu.memory_space<vmem>> -> memref<128xi32, #tpu.memory_space<vmem>>
      %dma_wait3A_140 = arith.constant 0 : i32
      %dma_wait3A_141 = arith.constant 0 : i32
      %dma_wait3A_142 = tpu.memref_slice %arg8[%dma_wait3A_140, %dma_wait3A_141] : memref<65536x8xf32, #tpu.memory_space<vmem_shared>> -> memref<65536x8xf32, #tpu.memory_space<vmem_shared>>
      tpu.wait_indirect_dma semaphore(%arg10 : memref<!tpu.dma_semaphore, #tpu.memory_space<semaphore_mem>>) src(%dma_wait3A_136 : memref<128x8xf32, #tpu.memory_space<vmem>>) dst(%dma_wait3A_142 : memref<65536x8xf32, #tpu.memory_space<vmem_shared>>)
      %dma_wait3A_143 = arith.constant 0 : i32
      %dma_wait3A_144 = tpu.memref_slice %arg6[%mul3A_70, %dma_wait3A_143] : memref<6912x8xf32, #tpu.memory_space<vmem>> -> memref<128x8xf32, #tpu.memory_space<vmem>>
      %dma_wait3A_145 = arith.constant 0 : i32
      %dma_wait3A_146 = tpu.memref_slice %arg7[%add3A_68, %dma_wait3A_145] : memref<54x128xi32, #tpu.memory_space<vmem>> -> memref<1x128xi32, #tpu.memory_space<vmem>>
      %dma_wait3A_147 = tpu.memref_squeeze %dma_wait3A_146 : memref<1x128xi32, #tpu.memory_space<vmem>> -> memref<128xi32, #tpu.memory_space<vmem>>
      %dma_wait3A_148 = arith.constant 0 : i32
      %dma_wait3A_149 = arith.constant 0 : i32
      %dma_wait3A_150 = tpu.memref_slice %arg8[%dma_wait3A_148, %dma_wait3A_149] : memref<65536x8xf32, #tpu.memory_space<vmem_shared>> -> memref<65536x8xf32, #tpu.memory_space<vmem_shared>>
      tpu.wait_indirect_dma semaphore(%arg10 : memref<!tpu.dma_semaphore, #tpu.memory_space<semaphore_mem>>) src(%dma_wait3A_144 : memref<128x8xf32, #tpu.memory_space<vmem>>) dst(%dma_wait3A_150 : memref<65536x8xf32, #tpu.memory_space<vmem_shared>>)
      %dma_wait3A_151 = arith.constant 0 : i32
      %dma_wait3A_152 = tpu.memref_slice %arg6[%mul3A_84, %dma_wait3A_151] : memref<6912x8xf32, #tpu.memory_space<vmem>> -> memref<128x8xf32, #tpu.memory_space<vmem>>
      %dma_wait3A_153 = arith.constant 0 : i32
      %dma_wait3A_154 = tpu.memref_slice %arg7[%add3A_82, %dma_wait3A_153] : memref<54x128xi32, #tpu.memory_space<vmem>> -> memref<1x128xi32, #tpu.memory_space<vmem>>
      %dma_wait3A_155 = tpu.memref_squeeze %dma_wait3A_154 : memref<1x128xi32, #tpu.memory_space<vmem>> -> memref<128xi32, #tpu.memory_space<vmem>>
      %dma_wait3A_156 = arith.constant 0 : i32
      %dma_wait3A_157 = arith.constant 0 : i32
      %dma_wait3A_158 = tpu.memref_slice %arg8[%dma_wait3A_156, %dma_wait3A_157] : memref<65536x8xf32, #tpu.memory_space<vmem_shared>> -> memref<65536x8xf32, #tpu.memory_space<vmem_shared>>
      tpu.wait_indirect_dma semaphore(%arg10 : memref<!tpu.dma_semaphore, #tpu.memory_space<semaphore_mem>>) src(%dma_wait3A_152 : memref<128x8xf32, #tpu.memory_space<vmem>>) dst(%dma_wait3A_158 : memref<65536x8xf32, #tpu.memory_space<vmem_shared>>)
      %dma_wait3A_159 = arith.constant 0 : i32
      %dma_wait3A_160 = tpu.memref_slice %arg6[%mul3A_98, %dma_wait3A_159] : memref<6912x8xf32, #tpu.memory_space<vmem>> -> memref<128x8xf32, #tpu.memory_space<vmem>>
      %dma_wait3A_161 = arith.constant 0 : i32
      %dma_wait3A_162 = tpu.memref_slice %arg7[%add3A_96, %dma_wait3A_161] : memref<54x128xi32, #tpu.memory_space<vmem>> -> memref<1x128xi32, #tpu.memory_space<vmem>>
      %dma_wait3A_163 = tpu.memref_squeeze %dma_wait3A_162 : memref<1x128xi32, #tpu.memory_space<vmem>> -> memref<128xi32, #tpu.memory_space<vmem>>
      %dma_wait3A_164 = arith.constant 0 : i32
      %dma_wait3A_165 = arith.constant 0 : i32
      %dma_wait3A_166 = tpu.memref_slice %arg8[%dma_wait3A_164, %dma_wait3A_165] : memref<65536x8xf32, #tpu.memory_space<vmem_shared>> -> memref<65536x8xf32, #tpu.memory_space<vmem_shared>>
      tpu.wait_indirect_dma semaphore(%arg10 : memref<!tpu.dma_semaphore, #tpu.memory_space<semaphore_mem>>) src(%dma_wait3A_160 : memref<128x8xf32, #tpu.memory_space<vmem>>) dst(%dma_wait3A_166 : memref<65536x8xf32, #tpu.memory_space<vmem_shared>>)
      %dma_wait3A_167 = arith.constant 0 : i32
      %dma_wait3A_168 = tpu.memref_slice %arg6[%mul3A_112, %dma_wait3A_167] : memref<6912x8xf32, #tpu.memory_space<vmem>> -> memref<128x8xf32, #tpu.memory_space<vmem>>
      %dma_wait3A_169 = arith.constant 0 : i32
      %dma_wait3A_170 = tpu.memref_slice %arg7[%add3A_110, %dma_wait3A_169] : memref<54x128xi32, #tpu.memory_space<vmem>> -> memref<1x128xi32, #tpu.memory_space<vmem>>
      %dma_wait3A_171 = tpu.memref_squeeze %dma_wait3A_170 : memref<1x128xi32, #tpu.memory_space<vmem>> -> memref<128xi32, #tpu.memory_space<vmem>>
      %dma_wait3A_172 = arith.constant 0 : i32
      %dma_wait3A_173 = arith.constant 0 : i32
      %dma_wait3A_174 = tpu.memref_slice %arg8[%dma_wait3A_172, %dma_wait3A_173] : memref<65536x8xf32, #tpu.memory_space<vmem_shared>> -> memref<65536x8xf32, #tpu.memory_space<vmem_shared>>
      tpu.wait_indirect_dma semaphore(%arg10 : memref<!tpu.dma_semaphore, #tpu.memory_space<semaphore_mem>>) src(%dma_wait3A_168 : memref<128x8xf32, #tpu.memory_space<vmem>>) dst(%dma_wait3A_174 : memref<65536x8xf32, #tpu.memory_space<vmem_shared>>)
      %dma_wait3A_175 = arith.constant 0 : i32
      %dma_wait3A_176 = tpu.memref_slice %arg6[%mul3A_126, %dma_wait3A_175] : memref<6912x8xf32, #tpu.memory_space<vmem>> -> memref<128x8xf32, #tpu.memory_space<vmem>>
      %dma_wait3A_177 = arith.constant 0 : i32
      %dma_wait3A_178 = tpu.memref_slice %arg7[%add3A_124, %dma_wait3A_177] : memref<54x128xi32, #tpu.memory_space<vmem>> -> memref<1x128xi32, #tpu.memory_space<vmem>>
      %dma_wait3A_179 = tpu.memref_squeeze %dma_wait3A_178 : memref<1x128xi32, #tpu.memory_space<vmem>> -> memref<128xi32, #tpu.memory_space<vmem>>
      %dma_wait3A_180 = arith.constant 0 : i32
      %dma_wait3A_181 = arith.constant 0 : i32
      %dma_wait3A_182 = tpu.memref_slice %arg8[%dma_wait3A_180, %dma_wait3A_181] : memref<65536x8xf32, #tpu.memory_space<vmem_shared>> -> memref<65536x8xf32, #tpu.memory_space<vmem_shared>>
      tpu.wait_indirect_dma semaphore(%arg10 : memref<!tpu.dma_semaphore, #tpu.memory_space<semaphore_mem>>) src(%dma_wait3A_176 : memref<128x8xf32, #tpu.memory_space<vmem>>) dst(%dma_wait3A_182 : memref<65536x8xf32, #tpu.memory_space<vmem_shared>>)
    }
    %scan3A_41 = arith.constant 9 : i32
    %barrier3A_42 = arith.constant 0 : index
    tpu.barrier barrier_id(%barrier3A_42)
    %mul3A_43 = arith.constant 65536 : i32
    %mul3A_44 = arith.muli %arg0, %mul3A_43 : i32
    %mul3A_45 = arith.constant 4096 : i32
    %mul3A_46 = arith.muli %arg1, %mul3A_45 : i32
    %add3A_47 = arith.addi %mul3A_44, %mul3A_46 : i32
    %mul3A_48 = arith.constant 4096 : i32
    %mul3A_49 = arith.muli %arg1, %mul3A_48 : i32
    "tpu.region"() ({
      %run_scoped3A = tpu.sem_alloc : memref<!tpu.dma_semaphore, #tpu.memory_space<semaphore_mem>>
      %dma_start3A_50 = arith.constant 0 : i32
      %dma_start3A_51 = tpu.memref_slice %arg5[%add3A_47, %dma_start3A_50] : memref<131072x8xf32, #tpu.memory_space<hbm>> -> memref<4096x8xf32, #tpu.memory_space<hbm>>
      %dma_start3A_52 = arith.constant 0 : i32
      %dma_start3A_53 = tpu.memref_slice %arg8[%mul3A_49, %dma_start3A_52] : memref<65536x8xf32, #tpu.memory_space<vmem_shared>> -> memref<4096x8xf32, #tpu.memory_space<vmem_shared>>
      tpu.enqueue_dma source(%dma_start3A_53 : memref<4096x8xf32, #tpu.memory_space<vmem_shared>>) target(%dma_start3A_51 : memref<4096x8xf32, #tpu.memory_space<hbm>>) target_semaphore(%run_scoped3A : memref<!tpu.dma_semaphore, #tpu.memory_space<semaphore_mem>>)
      %dma_wait3A_54 = arith.constant 0 : i32
      %dma_wait3A_55 = tpu.memref_slice %arg5[%add3A_47, %dma_wait3A_54] : memref<131072x8xf32, #tpu.memory_space<hbm>> -> memref<4096x8xf32, #tpu.memory_space<hbm>>
      %dma_wait3A_56 = arith.constant 0 : i32
      %dma_wait3A_57 = tpu.memref_slice %arg8[%mul3A_49, %dma_wait3A_56] : memref<65536x8xf32, #tpu.memory_space<vmem_shared>> -> memref<4096x8xf32, #tpu.memory_space<vmem_shared>>
      tpu.wait_dma2 semaphore(%run_scoped3A : memref<!tpu.dma_semaphore, #tpu.memory_space<semaphore_mem>>) src(%dma_wait3A_57 : memref<4096x8xf32, #tpu.memory_space<vmem_shared>>) dst(%dma_wait3A_55 : memref<4096x8xf32, #tpu.memory_space<hbm>>)
      tpu.yield
    }) : () -> ()
    return
  }
}

module attributes {stable_mosaic.version = 14 : i64} {
  func.func @_mlp_body(%arg0: i32, %arg1: memref<1024x3xf32, #tpu.memory_space<vmem>>, %arg2: memref<1024x64xf32, #tpu.memory_space<vmem>>, %arg3: memref<64x864xf32, #tpu.memory_space<vmem>>, %arg4: memref<1x864xf32, #tpu.memory_space<vmem>>, %arg5: memref<864x432xf32, #tpu.memory_space<vmem>>, %arg6: memref<1x432xf32, #tpu.memory_space<vmem>>, %arg7: memref<432x216xf32, #tpu.memory_space<vmem>>, %arg8: memref<1x216xf32, #tpu.memory_space<vmem>>, %arg9: memref<1024x216xf32, #tpu.memory_space<vmem>>, %arg10: memref<1024x27xi32, #tpu.memory_space<vmem>>) attributes {dimension_semantics = [#tpu.dimension_semantics<arbitrary>], iteration_bounds = array<i64: 8>, scalar_prefetch = 0 : i64, scratch_operands = 0 : i64, tpu.core_type = #tpu.core_type<tc>, window_params = [{transform_indices = @transform_0, window_bounds = array<i64: 1024, 3>}, {transform_indices = @transform_1, window_bounds = array<i64: 1024, 64>}, {pipeline_mode = #tpu.pipeline_mode<synchronous>, transform_indices = @transform_2, window_bounds = array<i64: 64, 864>}, {pipeline_mode = #tpu.pipeline_mode<synchronous>, transform_indices = @transform_3, window_bounds = array<i64: 1, 864>}, {pipeline_mode = #tpu.pipeline_mode<synchronous>, transform_indices = @transform_4, window_bounds = array<i64: 864, 432>}, {pipeline_mode = #tpu.pipeline_mode<synchronous>, transform_indices = @transform_5, window_bounds = array<i64: 1, 432>}, {pipeline_mode = #tpu.pipeline_mode<synchronous>, transform_indices = @transform_6, window_bounds = array<i64: 432, 216>}, {pipeline_mode = #tpu.pipeline_mode<synchronous>, transform_indices = @transform_7, window_bounds = array<i64: 1, 216>}, {transform_indices = @transform_8, window_bounds = array<i64: 1024, 216>}, {transform_indices = @transform_9, window_bounds = array<i64: 1024, 27>}]} {
    %get3A = arith.constant 0 : index
    %get3A_0 = arith.constant 0 : index
    %get3A_1 = vector.load %arg2[%get3A, %get3A_0] : memref<1024x64xf32, #tpu.memory_space<vmem>>, vector<1024x64xf32>
    %get3A_2 = arith.constant 0 : index
    %get3A_3 = arith.constant 0 : index
    %get3A_4 = vector.load %arg3[%get3A_2, %get3A_3] : memref<64x864xf32, #tpu.memory_space<vmem>>, vector<64x864xf32>
    %dot_general3A = arith.constant dense<0.000000e+00> : vector<1024x864xf32>
    %dot_general3A_5 = tpu.matmul %get3A_1, %get3A_4, %dot_general3A {dimension_numbers = #tpu.dot_dimension_numbers<[1], [0], [0], [1], [0, 0, 1, 1], [], []>, transpose_lhs_hint = false} : vector<1024x64xf32>, vector<64x864xf32>, vector<1024x864xf32> -> vector<1024x864xf32>
    %get3A_6 = arith.constant 0 : index
    %get3A_7 = arith.constant 0 : index
    %get3A_8 = vector.load %arg4[%get3A_6, %get3A_7] : memref<1x864xf32, #tpu.memory_space<vmem>>, vector<1x864xf32>
    %add3A = vector.broadcast %get3A_8 : vector<1x864xf32> to vector<1024x864xf32>
    %add3A_9 = arith.addf %dot_general3A_5, %add3A : vector<1024x864xf32>
    %mul3A = arith.constant 5.000000e-01 : f32
    %mul3A_10 = vector.broadcast %mul3A : f32 to vector<1024x864xf32>
    %mul3A_11 = arith.mulf %mul3A_10, %add3A_9 : vector<1024x864xf32>
    %mul3A_12 = arith.constant 0.707106769 : f32
    %mul3A_13 = vector.broadcast %mul3A_12 : f32 to vector<1024x864xf32>
    %mul3A_14 = arith.mulf %add3A_9, %mul3A_13 : vector<1024x864xf32>
    %erf3A = math.erf %mul3A_14 : vector<1024x864xf32>
    %add3A_15 = arith.constant 1.000000e+00 : f32
    %add3A_16 = vector.broadcast %add3A_15 : f32 to vector<1024x864xf32>
    %add3A_17 = arith.addf %add3A_16, %erf3A : vector<1024x864xf32>
    %mul3A_18 = arith.mulf %mul3A_11, %add3A_17 : vector<1024x864xf32>
    %get3A_19 = arith.constant 0 : index
    %get3A_20 = arith.constant 0 : index
    %get3A_21 = vector.load %arg5[%get3A_19, %get3A_20] : memref<864x432xf32, #tpu.memory_space<vmem>>, vector<864x432xf32>
    %dot_general3A_22 = arith.constant dense<0.000000e+00> : vector<1024x432xf32>
    %dot_general3A_23 = tpu.matmul %mul3A_18, %get3A_21, %dot_general3A_22 {dimension_numbers = #tpu.dot_dimension_numbers<[1], [0], [0], [1], [0, 0, 1, 1], [], []>, transpose_lhs_hint = false} : vector<1024x864xf32>, vector<864x432xf32>, vector<1024x432xf32> -> vector<1024x432xf32>
    %get3A_24 = arith.constant 0 : index
    %get3A_25 = arith.constant 0 : index
    %get3A_26 = vector.load %arg6[%get3A_24, %get3A_25] : memref<1x432xf32, #tpu.memory_space<vmem>>, vector<1x432xf32>
    %add3A_27 = vector.broadcast %get3A_26 : vector<1x432xf32> to vector<1024x432xf32>
    %add3A_28 = arith.addf %dot_general3A_23, %add3A_27 : vector<1024x432xf32>
    %mul3A_29 = arith.constant 5.000000e-01 : f32
    %mul3A_30 = vector.broadcast %mul3A_29 : f32 to vector<1024x432xf32>
    %mul3A_31 = arith.mulf %mul3A_30, %add3A_28 : vector<1024x432xf32>
    %mul3A_32 = arith.constant 0.707106769 : f32
    %mul3A_33 = vector.broadcast %mul3A_32 : f32 to vector<1024x432xf32>
    %mul3A_34 = arith.mulf %add3A_28, %mul3A_33 : vector<1024x432xf32>
    %erf3A_35 = math.erf %mul3A_34 : vector<1024x432xf32>
    %add3A_36 = arith.constant 1.000000e+00 : f32
    %add3A_37 = vector.broadcast %add3A_36 : f32 to vector<1024x432xf32>
    %add3A_38 = arith.addf %add3A_37, %erf3A_35 : vector<1024x432xf32>
    %mul3A_39 = arith.mulf %mul3A_31, %add3A_38 : vector<1024x432xf32>
    %get3A_40 = arith.constant 0 : index
    %get3A_41 = arith.constant 0 : index
    %get3A_42 = vector.load %arg7[%get3A_40, %get3A_41] : memref<432x216xf32, #tpu.memory_space<vmem>>, vector<432x216xf32>
    %dot_general3A_43 = arith.constant dense<0.000000e+00> : vector<1024x216xf32>
    %dot_general3A_44 = tpu.matmul %mul3A_39, %get3A_42, %dot_general3A_43 {dimension_numbers = #tpu.dot_dimension_numbers<[1], [0], [0], [1], [0, 0, 1, 1], [], []>, transpose_lhs_hint = false} : vector<1024x432xf32>, vector<432x216xf32>, vector<1024x216xf32> -> vector<1024x216xf32>
    %get3A_45 = arith.constant 0 : index
    %get3A_46 = arith.constant 0 : index
    %get3A_47 = vector.load %arg8[%get3A_45, %get3A_46] : memref<1x216xf32, #tpu.memory_space<vmem>>, vector<1x216xf32>
    %add3A_48 = vector.broadcast %get3A_47 : vector<1x216xf32> to vector<1024x216xf32>
    %add3A_49 = arith.addf %dot_general3A_44, %add3A_48 : vector<1024x216xf32>
    %swap3A = arith.constant 0 : index
    %swap3A_50 = arith.constant 0 : index
    %swap3A_51 = vector.load %arg9[%swap3A, %swap3A_50] : memref<1024x216xf32, #tpu.memory_space<vmem>>, vector<1024x216xf32>
    tpu.vector_store %arg9[%swap3A, %swap3A_50], %add3A_49 {strides = array<i32>} : memref<1024x216xf32, #tpu.memory_space<vmem>>, vector<1024x216xf32>,
    %mul3A_52 = arith.constant 1024 : i32
    %mul3A_53 = arith.muli %arg0, %mul3A_52 : i32
    %iota3A = tpu.iota {dimensions = array<i32: 0>} : vector<1024x1xi32>
    %add3A_54 = vector.broadcast %mul3A_53 : i32 to vector<1024x1xi32>
    %add3A_55 = arith.addi %add3A_54, %iota3A : vector<1024x1xi32>
    %get3A_56 = arith.constant 0 : index
    %get3A_57 = arith.constant 0 : index
    %get3A_58 = vector.load %arg1[%get3A_56, %get3A_57] : memref<1024x3xf32, #tpu.memory_space<vmem>>, vector<1024x1xf32>
    %mul3A_59 = arith.constant 3.200000e+01 : f32
    %mul3A_60 = vector.broadcast %mul3A_59 : f32 to vector<1024x1xf32>
    %mul3A_61 = arith.mulf %get3A_58, %mul3A_60 : vector<1024x1xf32>
    %convert_element_type3A = arith.fptosi %mul3A_61 : vector<1024x1xf32> to vector<1024x1xi32>
    %get3A_62 = arith.constant 0 : index
    %get3A_63 = arith.constant 1 : index
    %get3A_64 = vector.load %arg1[%get3A_62, %get3A_63] : memref<1024x3xf32, #tpu.memory_space<vmem>>, vector<1024x1xf32>
    %mul3A_65 = arith.constant 3.200000e+01 : f32
    %mul3A_66 = vector.broadcast %mul3A_65 : f32 to vector<1024x1xf32>
    %mul3A_67 = arith.mulf %get3A_64, %mul3A_66 : vector<1024x1xf32>
    %convert_element_type3A_68 = arith.fptosi %mul3A_67 : vector<1024x1xf32> to vector<1024x1xi32>
    %get3A_69 = arith.constant 0 : index
    %get3A_70 = arith.constant 2 : index
    %get3A_71 = vector.load %arg1[%get3A_69, %get3A_70] : memref<1024x3xf32, #tpu.memory_space<vmem>>, vector<1024x1xf32>
    %mul3A_72 = arith.constant 3.200000e+01 : f32
    %mul3A_73 = vector.broadcast %mul3A_72 : f32 to vector<1024x1xf32>
    %mul3A_74 = arith.mulf %get3A_71, %mul3A_73 : vector<1024x1xf32>
    %convert_element_type3A_75 = arith.fptosi %mul3A_74 : vector<1024x1xf32> to vector<1024x1xi32>
    %iota3A_76 = tpu.iota {dimensions = array<i32: 1>} : vector<1024x27xi32>
    %jit3A = arith.constant 3 : i32
    %div3A = vector.broadcast %jit3A : i32 to vector<1024x27xi32>
    %div3A_77 = arith.divsi %iota3A_76, %div3A : vector<1024x27xi32>
    %sign3A = arith.constant 0 : i32
    %sign3A_78 = vector.broadcast %sign3A : i32 to vector<1024x27xi32>
    %sign3A_79 = arith.cmpi sgt, %iota3A_76, %sign3A_78 : vector<1024x27xi32>
    %sign3A_80 = arith.extui %sign3A_79 : vector<1024x27xi1> to vector<1024x27xi32>
    %sign3A_81 = arith.constant 0 : i32
    %sign3A_82 = vector.broadcast %sign3A_81 : i32 to vector<1024x27xi32>
    %sign3A_83 = arith.cmpi slt, %iota3A_76, %sign3A_82 : vector<1024x27xi32>
    %sign3A_84 = arith.extui %sign3A_83 : vector<1024x27xi1> to vector<1024x27xi32>
    %sign3A_85 = arith.subi %sign3A_80, %sign3A_84 : vector<1024x27xi32>
    %sign3A_86 = arith.constant 0 : i32
    %sign3A_87 = arith.cmpi sgt, %jit3A, %sign3A_86 : i32
    %sign3A_88 = arith.extui %sign3A_87 : i1 to i32
    %sign3A_89 = arith.constant 0 : i32
    %sign3A_90 = arith.cmpi slt, %jit3A, %sign3A_89 : i32
    %sign3A_91 = arith.extui %sign3A_90 : i1 to i32
    %sign3A_92 = arith.subi %sign3A_88, %sign3A_91 : i32
    %ne3A = vector.broadcast %sign3A_92 : i32 to vector<1024x27xi32>
    %ne3A_93 = arith.cmpi ne, %sign3A_85, %ne3A : vector<1024x27xi32>
    %rem3A = vector.broadcast %jit3A : i32 to vector<1024x27xi32>
    %rem3A_94 = arith.remsi %iota3A_76, %rem3A : vector<1024x27xi32>
    %ne3A_95 = arith.constant 0 : i32
    %ne3A_96 = vector.broadcast %ne3A_95 : i32 to vector<1024x27xi32>
    %ne3A_97 = arith.cmpi ne, %rem3A_94, %ne3A_96 : vector<1024x27xi32>
    %and3A = arith.andi %ne3A_93, %ne3A_97 : vector<1024x27xi1>
    %sub3A = arith.constant 1 : i32
    %sub3A_98 = vector.broadcast %sub3A : i32 to vector<1024x27xi32>
    %sub3A_99 = arith.subi %div3A_77, %sub3A_98 : vector<1024x27xi32>
    %select_n3A = arith.select %and3A, %sub3A_99, %div3A_77 : vector<1024x27xi1>, vector<1024x27xi32>
    %jit3A_100 = arith.constant 3 : i32
    %eq3A = arith.constant 0 : i32
    %eq3A_101 = arith.cmpi eq, %jit3A_100, %eq3A : i32
    %jit3A_102 = arith.constant 1 : i32
    %select_n3A_103 = arith.select %eq3A_101, %jit3A_102, %jit3A_100 : i32
    %rem3A_104 = vector.broadcast %select_n3A_103 : i32 to vector<1024x27xi32>
    %rem3A_105 = arith.remsi %select_n3A, %rem3A_104 : vector<1024x27xi32>
    %ne3A_106 = arith.constant 0 : i32
    %ne3A_107 = vector.broadcast %ne3A_106 : i32 to vector<1024x27xi32>
    %ne3A_108 = arith.cmpi ne, %rem3A_105, %ne3A_107 : vector<1024x27xi32>
    %lt3A = arith.constant 0 : i32
    %lt3A_109 = vector.broadcast %lt3A : i32 to vector<1024x27xi32>
    %lt3A_110 = arith.cmpi slt, %rem3A_105, %lt3A_109 : vector<1024x27xi32>
    %lt3A_111 = arith.constant 0 : i32
    %lt3A_112 = arith.cmpi slt, %select_n3A_103, %lt3A_111 : i32
    %ne3A_113 = vector.broadcast %lt3A_112 : i1 to vector<1024x27xi1>
    %ne3A_114 = vector.broadcast %ne3A_113 : vector<1024x27xi1> to vector<1024x27xi1>
    %ne3A_115 = arith.xori %lt3A_110, %ne3A_114 : vector<1024x27xi1>
    %and3A_116 = arith.andi %ne3A_115, %ne3A_108 : vector<1024x27xi1>
    %add3A_117 = vector.broadcast %select_n3A_103 : i32 to vector<1024x27xi32>
    %add3A_118 = arith.addi %rem3A_105, %add3A_117 : vector<1024x27xi32>
    %select_n3A_119 = arith.select %and3A_116, %add3A_118, %rem3A_105 : vector<1024x27xi1>, vector<1024x27xi32>
    %add3A_120 = vector.broadcast %convert_element_type3A : vector<1024x1xi32> to vector<1024x27xi32>
    %add3A_121 = arith.addi %add3A_120, %select_n3A_119 : vector<1024x27xi32>
    %sub3A_122 = arith.constant 1 : i32
    %sub3A_123 = vector.broadcast %sub3A_122 : i32 to vector<1024x27xi32>
    %sub3A_124 = arith.subi %add3A_121, %sub3A_123 : vector<1024x27xi32>
    %jit3A_125 = arith.constant 0 : i32
    %jit3A_126 = arith.constant 31 : i32
    %max3A = vector.broadcast %jit3A_125 : i32 to vector<1024x27xi32>
    %max3A_127 = arith.maxsi %max3A, %sub3A_124 : vector<1024x27xi32>
    %min3A = vector.broadcast %jit3A_126 : i32 to vector<1024x27xi32>
    %min3A_128 = arith.minsi %min3A, %max3A_127 : vector<1024x27xi32>
    %jit3A_129 = arith.constant 9 : i32
    %div3A_130 = vector.broadcast %jit3A_129 : i32 to vector<1024x27xi32>
    %div3A_131 = arith.divsi %iota3A_76, %div3A_130 : vector<1024x27xi32>
    %sign3A_132 = arith.constant 0 : i32
    %sign3A_133 = vector.broadcast %sign3A_132 : i32 to vector<1024x27xi32>
    %sign3A_134 = arith.cmpi sgt, %iota3A_76, %sign3A_133 : vector<1024x27xi32>
    %sign3A_135 = arith.extui %sign3A_134 : vector<1024x27xi1> to vector<1024x27xi32>
    %sign3A_136 = arith.constant 0 : i32
    %sign3A_137 = vector.broadcast %sign3A_136 : i32 to vector<1024x27xi32>
    %sign3A_138 = arith.cmpi slt, %iota3A_76, %sign3A_137 : vector<1024x27xi32>
    %sign3A_139 = arith.extui %sign3A_138 : vector<1024x27xi1> to vector<1024x27xi32>
    %sign3A_140 = arith.subi %sign3A_135, %sign3A_139 : vector<1024x27xi32>
    %sign3A_141 = arith.constant 0 : i32
    %sign3A_142 = arith.cmpi sgt, %jit3A_129, %sign3A_141 : i32
    %sign3A_143 = arith.extui %sign3A_142 : i1 to i32
    %sign3A_144 = arith.constant 0 : i32
    %sign3A_145 = arith.cmpi slt, %jit3A_129, %sign3A_144 : i32
    %sign3A_146 = arith.extui %sign3A_145 : i1 to i32
    %sign3A_147 = arith.subi %sign3A_143, %sign3A_146 : i32
    %ne3A_148 = vector.broadcast %sign3A_147 : i32 to vector<1024x27xi32>
    %ne3A_149 = arith.cmpi ne, %sign3A_140, %ne3A_148 : vector<1024x27xi32>
    %rem3A_150 = vector.broadcast %jit3A_129 : i32 to vector<1024x27xi32>
    %rem3A_151 = arith.remsi %iota3A_76, %rem3A_150 : vector<1024x27xi32>
    %ne3A_152 = arith.constant 0 : i32
    %ne3A_153 = vector.broadcast %ne3A_152 : i32 to vector<1024x27xi32>
    %ne3A_154 = arith.cmpi ne, %rem3A_151, %ne3A_153 : vector<1024x27xi32>
    %and3A_155 = arith.andi %ne3A_149, %ne3A_154 : vector<1024x27xi1>
    %sub3A_156 = arith.constant 1 : i32
    %sub3A_157 = vector.broadcast %sub3A_156 : i32 to vector<1024x27xi32>
    %sub3A_158 = arith.subi %div3A_131, %sub3A_157 : vector<1024x27xi32>
    %select_n3A_159 = arith.select %and3A_155, %sub3A_158, %div3A_131 : vector<1024x27xi1>, vector<1024x27xi32>
    %add3A_160 = vector.broadcast %convert_element_type3A_68 : vector<1024x1xi32> to vector<1024x27xi32>
    %add3A_161 = arith.addi %add3A_160, %select_n3A_159 : vector<1024x27xi32>
    %sub3A_162 = arith.constant 1 : i32
    %sub3A_163 = vector.broadcast %sub3A_162 : i32 to vector<1024x27xi32>
    %sub3A_164 = arith.subi %add3A_161, %sub3A_163 : vector<1024x27xi32>
    %jit3A_165 = arith.constant 0 : i32
    %jit3A_166 = arith.constant 31 : i32
    %max3A_167 = vector.broadcast %jit3A_165 : i32 to vector<1024x27xi32>
    %max3A_168 = arith.maxsi %max3A_167, %sub3A_164 : vector<1024x27xi32>
    %min3A_169 = vector.broadcast %jit3A_166 : i32 to vector<1024x27xi32>
    %min3A_170 = arith.minsi %min3A_169, %max3A_168 : vector<1024x27xi32>
    %jit3A_171 = arith.constant 3 : i32
    %eq3A_172 = arith.constant 0 : i32
    %eq3A_173 = arith.cmpi eq, %jit3A_171, %eq3A_172 : i32
    %jit3A_174 = arith.constant 1 : i32
    %select_n3A_175 = arith.select %eq3A_173, %jit3A_174, %jit3A_171 : i32
    %rem3A_176 = vector.broadcast %select_n3A_175 : i32 to vector<1024x27xi32>
    %rem3A_177 = arith.remsi %iota3A_76, %rem3A_176 : vector<1024x27xi32>
    %ne3A_178 = arith.constant 0 : i32
    %ne3A_179 = vector.broadcast %ne3A_178 : i32 to vector<1024x27xi32>
    %ne3A_180 = arith.cmpi ne, %rem3A_177, %ne3A_179 : vector<1024x27xi32>
    %lt3A_181 = arith.constant 0 : i32
    %lt3A_182 = vector.broadcast %lt3A_181 : i32 to vector<1024x27xi32>
    %lt3A_183 = arith.cmpi slt, %rem3A_177, %lt3A_182 : vector<1024x27xi32>
    %lt3A_184 = arith.constant 0 : i32
    %lt3A_185 = arith.cmpi slt, %select_n3A_175, %lt3A_184 : i32
    %ne3A_186 = vector.broadcast %lt3A_185 : i1 to vector<1024x27xi1>
    %ne3A_187 = vector.broadcast %ne3A_186 : vector<1024x27xi1> to vector<1024x27xi1>
    %ne3A_188 = arith.xori %lt3A_183, %ne3A_187 : vector<1024x27xi1>
    %and3A_189 = arith.andi %ne3A_188, %ne3A_180 : vector<1024x27xi1>
    %add3A_190 = vector.broadcast %select_n3A_175 : i32 to vector<1024x27xi32>
    %add3A_191 = arith.addi %rem3A_177, %add3A_190 : vector<1024x27xi32>
    %select_n3A_192 = arith.select %and3A_189, %add3A_191, %rem3A_177 : vector<1024x27xi1>, vector<1024x27xi32>
    %add3A_193 = vector.broadcast %convert_element_type3A_75 : vector<1024x1xi32> to vector<1024x27xi32>
    %add3A_194 = arith.addi %add3A_193, %select_n3A_192 : vector<1024x27xi32>
    %sub3A_195 = arith.constant 1 : i32
    %sub3A_196 = vector.broadcast %sub3A_195 : i32 to vector<1024x27xi32>
    %sub3A_197 = arith.subi %add3A_194, %sub3A_196 : vector<1024x27xi32>
    %jit3A_198 = arith.constant 0 : i32
    %jit3A_199 = arith.constant 31 : i32
    %max3A_200 = vector.broadcast %jit3A_198 : i32 to vector<1024x27xi32>
    %max3A_201 = arith.maxsi %max3A_200, %sub3A_197 : vector<1024x27xi32>
    %min3A_202 = vector.broadcast %jit3A_199 : i32 to vector<1024x27xi32>
    %min3A_203 = arith.minsi %min3A_202, %max3A_201 : vector<1024x27xi32>
    %shift_right_arithmetic3A = arith.constant 11 : i32
    %shift_right_arithmetic3A_204 = vector.broadcast %shift_right_arithmetic3A : i32 to vector<1024x1xi32>
    %shift_right_arithmetic3A_205 = arith.shrsi %add3A_55, %shift_right_arithmetic3A_204 : vector<1024x1xi32>
    %and3A_206 = arith.constant 1 : i32
    %and3A_207 = vector.broadcast %and3A_206 : i32 to vector<1024x1xi32>
    %and3A_208 = arith.andi %shift_right_arithmetic3A_205, %and3A_207 : vector<1024x1xi32>
    %shift_left3A = arith.constant 15 : i32
    %shift_left3A_209 = vector.broadcast %shift_left3A : i32 to vector<1024x1xi32>
    %shift_left3A_210 = arith.shli %and3A_208, %shift_left3A_209 : vector<1024x1xi32>
    %mul3A_211 = arith.constant 32 : i32
    %mul3A_212 = vector.broadcast %mul3A_211 : i32 to vector<1024x27xi32>
    %mul3A_213 = arith.muli %min3A_128, %mul3A_212 : vector<1024x27xi32>
    %add3A_214 = arith.addi %mul3A_213, %min3A_170 : vector<1024x27xi32>
    %mul3A_215 = arith.constant 32 : i32
    %mul3A_216 = vector.broadcast %mul3A_215 : i32 to vector<1024x27xi32>
    %mul3A_217 = arith.muli %add3A_214, %mul3A_216 : vector<1024x27xi32>
    %add3A_218 = arith.addi %mul3A_217, %min3A_203 : vector<1024x27xi32>
    %add3A_219 = vector.broadcast %shift_left3A_210 : vector<1024x1xi32> to vector<1024x27xi32>
    %add3A_220 = arith.addi %add3A_218, %add3A_219 : vector<1024x27xi32>
    %swap3A_221 = arith.constant 0 : index
    %swap3A_222 = arith.constant 0 : index
    %swap3A_223 = vector.load %arg10[%swap3A_221, %swap3A_222] : memref<1024x27xi32, #tpu.memory_space<vmem>>, vector<1024x27xi32>
    tpu.vector_store %arg10[%swap3A_221, %swap3A_222], %add3A_220 {strides = array<i32>} : memref<1024x27xi32, #tpu.memory_space<vmem>>, vector<1024x27xi32>,
    return
  }
  func.func @transform_0(%arg0: i32) -> (i32, i32) {
    %c0_i32 = arith.constant 0 : i32
    %c0_i32_0 = arith.constant 0 : i32
    return %arg0, %c0_i32 : i32, i32
  }
  func.func @transform_1(%arg0: i32) -> (i32, i32) {
    %c0_i32 = arith.constant 0 : i32
    %c0_i32_0 = arith.constant 0 : i32
    return %arg0, %c0_i32 : i32, i32
  }
  func.func @transform_2(%arg0: i32) -> (i32, i32) {
    %c0_i32 = arith.constant 0 : i32
    %c0_i32_0 = arith.constant 0 : i32
    %c0_i32_1 = arith.constant 0 : i32
    return %c0_i32, %c0_i32_0 : i32, i32
  }
  func.func @transform_3(%arg0: i32) -> (i32, i32) {
    %c0_i32 = arith.constant 0 : i32
    %c0_i32_0 = arith.constant 0 : i32
    %c0_i32_1 = arith.constant 0 : i32
    return %c0_i32, %c0_i32_0 : i32, i32
  }
  func.func @transform_4(%arg0: i32) -> (i32, i32) {
    %c0_i32 = arith.constant 0 : i32
    %c0_i32_0 = arith.constant 0 : i32
    %c0_i32_1 = arith.constant 0 : i32
    return %c0_i32, %c0_i32_0 : i32, i32
  }
  func.func @transform_5(%arg0: i32) -> (i32, i32) {
    %c0_i32 = arith.constant 0 : i32
    %c0_i32_0 = arith.constant 0 : i32
    %c0_i32_1 = arith.constant 0 : i32
    return %c0_i32, %c0_i32_0 : i32, i32
  }
  func.func @transform_6(%arg0: i32) -> (i32, i32) {
    %c0_i32 = arith.constant 0 : i32
    %c0_i32_0 = arith.constant 0 : i32
    %c0_i32_1 = arith.constant 0 : i32
    return %c0_i32, %c0_i32_0 : i32, i32
  }
  func.func @transform_7(%arg0: i32) -> (i32, i32) {
    %c0_i32 = arith.constant 0 : i32
    %c0_i32_0 = arith.constant 0 : i32
    %c0_i32_1 = arith.constant 0 : i32
    return %c0_i32, %c0_i32_0 : i32, i32
  }
  func.func @transform_8(%arg0: i32) -> (i32, i32) {
    %c0_i32 = arith.constant 0 : i32
    %c0_i32_0 = arith.constant 0 : i32
    return %arg0, %c0_i32 : i32, i32
  }
  func.func @transform_9(%arg0: i32) -> (i32, i32) {
    %c0_i32 = arith.constant 0 : i32
    %c0_i32_0 = arith.constant 0 : i32
    return %arg0, %c0_i32 : i32, i32
  }
}

module attributes {stable_mosaic.version = 14 : i64} {
  func.func @_proj_body(%arg0: i32, %arg1: memref<256x128xf32, #tpu.memory_space<vmem>>, %arg2: memref<128x108xf32, #tpu.memory_space<vmem>>, %arg3: memref<1x108xf32, #tpu.memory_space<vmem>>, %arg4: memref<4096x108xf32, #tpu.memory_space<vmem>>) attributes {dimension_semantics = [#tpu.dimension_semantics<arbitrary>], iteration_bounds = array<i64: 32>, scalar_prefetch = 0 : i64, scratch_operands = 0 : i64, tpu.core_type = #tpu.core_type<tc>, window_params = [{transform_indices = @transform_0, window_bounds = array<i64: 256, 128>}, {pipeline_mode = #tpu.pipeline_mode<synchronous>, transform_indices = @transform_1, window_bounds = array<i64: 128, 108>}, {pipeline_mode = #tpu.pipeline_mode<synchronous>, transform_indices = @transform_2, window_bounds = array<i64: 1, 108>}, {transform_indices = @transform_3, window_bounds = array<i64: 4096, 108>}]} {
    %get3A = arith.constant 0 : index
    %get3A_0 = arith.constant 0 : index
    %get3A_1 = vector.load %arg1[%get3A, %get3A_0] : memref<256x128xf32, #tpu.memory_space<vmem>>, vector<256x128xf32>
    %broadcast_in_dim3A = vector.shape_cast %get3A_1 : vector<256x128xf32> to vector<256x1x128xf32>
    %broadcast_in_dim3A_2 = vector.shape_cast %broadcast_in_dim3A : vector<256x1x128xf32> to vector<256x1x128xf32>
    %broadcast_in_dim3A_3 = vector.broadcast %broadcast_in_dim3A_2 : vector<256x1x128xf32> to vector<256x16x128xf32>
    %reshape3A = vector.shape_cast %broadcast_in_dim3A_3 : vector<256x16x128xf32> to vector<4096x128xf32>
    %iota3A = tpu.iota {dimensions = array<i32: 0>} : vector<4096x128xi32>
    %iota3A_4 = tpu.iota {dimensions = array<i32: 1>} : vector<4096x128xi32>
    %jit3A = arith.constant 8 : i32
    %div3A = vector.broadcast %jit3A : i32 to vector<4096x128xi32>
    %div3A_5 = arith.divsi %iota3A_4, %div3A : vector<4096x128xi32>
    %sign3A = arith.constant 0 : i32
    %sign3A_6 = vector.broadcast %sign3A : i32 to vector<4096x128xi32>
    %sign3A_7 = arith.cmpi sgt, %iota3A_4, %sign3A_6 : vector<4096x128xi32>
    %sign3A_8 = arith.extui %sign3A_7 : vector<4096x128xi1> to vector<4096x128xi32>
    %sign3A_9 = arith.constant 0 : i32
    %sign3A_10 = vector.broadcast %sign3A_9 : i32 to vector<4096x128xi32>
    %sign3A_11 = arith.cmpi slt, %iota3A_4, %sign3A_10 : vector<4096x128xi32>
    %sign3A_12 = arith.extui %sign3A_11 : vector<4096x128xi1> to vector<4096x128xi32>
    %sign3A_13 = arith.subi %sign3A_8, %sign3A_12 : vector<4096x128xi32>
    %sign3A_14 = arith.constant 0 : i32
    %sign3A_15 = arith.cmpi sgt, %jit3A, %sign3A_14 : i32
    %sign3A_16 = arith.extui %sign3A_15 : i1 to i32
    %sign3A_17 = arith.constant 0 : i32
    %sign3A_18 = arith.cmpi slt, %jit3A, %sign3A_17 : i32
    %sign3A_19 = arith.extui %sign3A_18 : i1 to i32
    %sign3A_20 = arith.subi %sign3A_16, %sign3A_19 : i32
    %ne3A = vector.broadcast %sign3A_20 : i32 to vector<4096x128xi32>
    %ne3A_21 = arith.cmpi ne, %sign3A_13, %ne3A : vector<4096x128xi32>
    %rem3A = vector.broadcast %jit3A : i32 to vector<4096x128xi32>
    %rem3A_22 = arith.remsi %iota3A_4, %rem3A : vector<4096x128xi32>
    %ne3A_23 = arith.constant 0 : i32
    %ne3A_24 = vector.broadcast %ne3A_23 : i32 to vector<4096x128xi32>
    %ne3A_25 = arith.cmpi ne, %rem3A_22, %ne3A_24 : vector<4096x128xi32>
    %and3A = arith.andi %ne3A_21, %ne3A_25 : vector<4096x128xi1>
    %sub3A = arith.constant 1 : i32
    %sub3A_26 = vector.broadcast %sub3A : i32 to vector<4096x128xi32>
    %sub3A_27 = arith.subi %div3A_5, %sub3A_26 : vector<4096x128xi32>
    %select_n3A = arith.select %and3A, %sub3A_27, %div3A_5 : vector<4096x128xi1>, vector<4096x128xi32>
    %jit3A_28 = arith.constant 16 : i32
    %eq3A = arith.constant 0 : i32
    %eq3A_29 = arith.cmpi eq, %jit3A_28, %eq3A : i32
    %jit3A_30 = arith.constant 1 : i32
    %select_n3A_31 = arith.select %eq3A_29, %jit3A_30, %jit3A_28 : i32
    %rem3A_32 = vector.broadcast %select_n3A_31 : i32 to vector<4096x128xi32>
    %rem3A_33 = arith.remsi %iota3A, %rem3A_32 : vector<4096x128xi32>
    %ne3A_34 = arith.constant 0 : i32
    %ne3A_35 = vector.broadcast %ne3A_34 : i32 to vector<4096x128xi32>
    %ne3A_36 = arith.cmpi ne, %rem3A_33, %ne3A_35 : vector<4096x128xi32>
    %lt3A = arith.constant 0 : i32
    %lt3A_37 = vector.broadcast %lt3A : i32 to vector<4096x128xi32>
    %lt3A_38 = arith.cmpi slt, %rem3A_33, %lt3A_37 : vector<4096x128xi32>
    %lt3A_39 = arith.constant 0 : i32
    %lt3A_40 = arith.cmpi slt, %select_n3A_31, %lt3A_39 : i32
    %ne3A_41 = vector.broadcast %lt3A_40 : i1 to vector<4096x128xi1>
    %ne3A_42 = vector.broadcast %ne3A_41 : vector<4096x128xi1> to vector<4096x128xi1>
    %ne3A_43 = arith.xori %lt3A_38, %ne3A_42 : vector<4096x128xi1>
    %and3A_44 = arith.andi %ne3A_43, %ne3A_36 : vector<4096x128xi1>
    %add3A = vector.broadcast %select_n3A_31 : i32 to vector<4096x128xi32>
    %add3A_45 = arith.addi %rem3A_33, %add3A : vector<4096x128xi32>
    %select_n3A_46 = arith.select %and3A_44, %add3A_45, %rem3A_33 : vector<4096x128xi1>, vector<4096x128xi32>
    %eq3A_47 = arith.cmpi eq, %select_n3A, %select_n3A_46 : vector<4096x128xi32>
    %convert_element_type3A = arith.extui %eq3A_47 : vector<4096x128xi1> to vector<4096x128xi32>
    %convert_element_type3A_48 = arith.sitofp %convert_element_type3A : vector<4096x128xi32> to vector<4096x128xf32>
    %mul3A = arith.mulf %reshape3A, %convert_element_type3A_48 : vector<4096x128xf32>
    %get3A_49 = arith.constant 0 : index
    %get3A_50 = arith.constant 0 : index
    %get3A_51 = vector.load %arg2[%get3A_49, %get3A_50] : memref<128x108xf32, #tpu.memory_space<vmem>>, vector<128x108xf32>
    %dot_general3A = arith.constant dense<0.000000e+00> : vector<4096x108xf32>
    %dot_general3A_52 = tpu.matmul %mul3A, %get3A_51, %dot_general3A {dimension_numbers = #tpu.dot_dimension_numbers<[1], [0], [0], [1], [0, 0, 1, 1], [], []>, transpose_lhs_hint = false} : vector<4096x128xf32>, vector<128x108xf32>, vector<4096x108xf32> -> vector<4096x108xf32>
    %get3A_53 = arith.constant 0 : index
    %get3A_54 = arith.constant 0 : index
    %get3A_55 = vector.load %arg3[%get3A_53, %get3A_54] : memref<1x108xf32, #tpu.memory_space<vmem>>, vector<1x108xf32>
    %add3A_56 = vector.broadcast %get3A_55 : vector<1x108xf32> to vector<4096x108xf32>
    %add3A_57 = arith.addf %dot_general3A_52, %add3A_56 : vector<4096x108xf32>
    %swap3A = arith.constant 0 : index
    %swap3A_58 = arith.constant 0 : index
    %swap3A_59 = vector.load %arg4[%swap3A, %swap3A_58] : memref<4096x108xf32, #tpu.memory_space<vmem>>, vector<4096x108xf32>
    tpu.vector_store %arg4[%swap3A, %swap3A_58], %add3A_57 {strides = array<i32>} : memref<4096x108xf32, #tpu.memory_space<vmem>>, vector<4096x108xf32>,
    return
  }
  func.func @transform_0(%arg0: i32) -> (i32, i32) {
    %c0_i32 = arith.constant 0 : i32
    %c0_i32_0 = arith.constant 0 : i32
    return %arg0, %c0_i32 : i32, i32
  }
  func.func @transform_1(%arg0: i32) -> (i32, i32) {
    %c0_i32 = arith.constant 0 : i32
    %c0_i32_0 = arith.constant 0 : i32
    %c0_i32_1 = arith.constant 0 : i32
    return %c0_i32, %c0_i32_0 : i32, i32
  }
  func.func @transform_2(%arg0: i32) -> (i32, i32) {
    %c0_i32 = arith.constant 0 : i32
    %c0_i32_0 = arith.constant 0 : i32
    %c0_i32_1 = arith.constant 0 : i32
    return %c0_i32, %c0_i32_0 : i32, i32
  }
  func.func @transform_3(%arg0: i32) -> (i32, i32) {
    %c0_i32 = arith.constant 0 : i32
    %c0_i32_0 = arith.constant 0 : i32
    return %arg0, %c0_i32 : i32, i32
  }
}

</mosaic_0001>

<sc_bundles>
// kernel: kernel.5.cloned.1.call-start
scs
__scs_entry_jumppad:
0x0: {  	(pc) =	sbr.rel $0x88, $3  }
0x1: {  	(tag) =	ssettag $0x0;
	lr =	simm.s32 $0x1  }
0x2: {  	[smem:$0x3F97] =	sst lr;
	_ =	strace $0xD0000000  }
0x3: {  	_ = 	snop  }
0x4: {  	_ = 	snop  }
0x5: {  	_ = 	snop  }
0x6: {  	_ = 	snop  }
0x7: {  	_ = 	snop  }
__scs_overlays_trampoline_lowered:
0x8: {  	[smem:$0x3FA6] =	sst s0  }
0x9: {  	[smem:$0x3FA7] =	sst s1  }
0xa: {  	[smem:$0x3FA8] =	sst s2  }
0xb: {  	[smem:$0x3FA9] =	sst s3  }
0xc: {  	[smem:$0x3FAA] =	sst s4  }
0xd: {  	[smem:$0x3FAB] =	sst s5  }
0xe: {  	[smem:$0x3FAC] =	sst s6  }
0xf: {  	[smem:$0x3FAD] =	sst s7  }
0x10: {  	[smem:$0x3FAE] =	sst s8  }
0x11: {  	[smem:$0x3FAF] =	sst s9;
	s0 =	simm.s32 @!p0 $0x0  }
0x12: {  	s1 =	sld [smem:$0x3F95];
	s0 =	simm.s32 @p0 $0x1  }
0x13: {  	[smem:$0x3FB0] =	sst s0;
	s0 =	simm.s32 @!p1 $0x0  }
0x14: {  	s2 =	sld [smem:$0x3F94];
	s0 =	simm.s32 @p1 $0x1  }
0x15: {  	[smem:$0x3FB1] =	sst s0;
	s0 =	simm.s32 @!p2 $0x0  }
0x16: {  	s3 =	sld [smem:$0x3FDB];
	s0 =	simm.s32 @p2 $0x1  }
0x17: {  	s4 =	simm.s32 $0x1BF5;
	[smem:$0x3FB3] =	sst s0  }
0x18: {  	s0 =	sld [smem:$0x3F96];
	_ =	swait.ge [sflag:s4], $0x0  }
0x19: {  	s7 =	sld [smem:$0x3F97]  }
0x1a: {  	s8 =	sadd.s32 $0xFFFFE003, lr  }
0x1b: {  	s9 =	sadd.s32 $0xFFFFFEF7, lr;
	s5 =	simm.s32 $0xFFFFFFFF;
	p2 =	slt.u32 s8, $0xFFFFF086  }
0x1c: {  	p1 =	slt.u32 s9, $0xF7A;
	s5 =	simm.s32 @!p2 $0x0  }
0x1d: {  	s5 =	simm.s32 @p1 $0x1;
	p0 =	seq.s32 s7, s2  }
0x1e: {  	s7 =	smul.u32 @!p0 $0xF7A, s2;
	p2 =	seq.s32 @!p0 s5, $0x0  }
0x1f: {  	s9 =	smul.u32 $0xF7A, s1;
	s8 =	simm.s32 @!p0 $0x1BF5;
	p2 =	por !p2, p0  }
0x20: {  	[sflag:s8] =	ssyncset.s32 @!p0 $0xFFFFF086;
	s6 =	sadd.s32 @!p0 s3, s7;
	s7 =	simm.s32 @!p0 $0x108  }
0x21: {  	s3 =	sadd.s32 s3, s9;
	s6 =	sadd.s32 @!p0 $0x88, s6;
	s7 =	simm.s32 @p2 $0x1082  }
0x22: {  	[simem:s7], [sflag:s8] =	dma.local @!p0 [hbm:s6], $0xF7A  }
0x23: {  	s9 =	sor.u32 $0xD0000000, s2;
	s6 =	simm.s32 $0x108;
	_ =	swait.ge @!p0 [sflag:s8], $0x0  }
0x24: {  	s3 =	sadd.s32 $0x88, s3;
	s6 =	simm.s32 @!p1 $0x1082;
	[sflag:s4] =	ssyncset.s32 $0xFFFFF086  }
0x25: {  	[simem:s6], [sflag:s4] =	dma.local [hbm:s3], $0xF7A  }
0x26: {  	[smem:$0x3F97] =	sst s1;
	(tag) =	ssettag s2;
	_ =	strace s9  }
0x27: {  	s1 =	sld [smem:$0x3FA7]  }
0x28: {  	s2 =	sld [smem:$0x3FA8]  }
0x29: {  	s4 =	sld [smem:$0x3FAA]  }
0x2a: {  	p0 =	seq.s32 s5, $0x0;
	s5 =	sld [smem:$0x3FAB]  }
0x2b: {  	s6 =	sld [smem:$0x3FAC]  }
0x2c: {  	s7 =	sld [smem:$0x3FAD]  }
0x2d: {  	s3 =	simm.s32 $0x108;
	s8 =	sld [smem:$0x3FAE]  }
0x2e: {  	s3 =	simm.s32 @!p0 $0x1082;
	s9 =	sld [smem:$0x3FAF]  }
0x2f: {  	lr =	sadd.s32 s0, s3;
	s0 =	sld [smem:$0x3FA6]  }
0x30: {  	s3 =	sld [smem:$0x3FA9]  }
0x31: {  	[smem:$0x3FB2] =	sst s10  }
0x32: {  	s10 =	sld [smem:$0x3FB0];
	_ =	sdelay $0x3  }
0x33: {  	p0 =	seq.s32 s10, $0x1;
	s10 =	sld [smem:$0x3FB2];
	_ =	sdelay $0x3  }
0x34: {  	[smem:$0x3FB2] =	sst s10  }
0x35: {  	s10 =	sld [smem:$0x3FB1];
	_ =	sdelay $0x3  }
0x36: {  	p1 =	seq.s32 s10, $0x1;
	s10 =	sld [smem:$0x3FB2];
	_ =	sdelay $0x3  }
0x37: {  	[smem:$0x3FB2] =	sst s10  }
0x38: {  	s10 =	sld [smem:$0x3FB3]  }
0x39: {  	_ = 	snop;
	(pc) =	sbr.ind lr, $3  }
0x3a: {  	_ = 	snop  }
0x3b: {  	_ = 	snop  }
0x3c: {  	p2 =	seq.s32 s10, $0x1;
	s10 =	sld [smem:$0x3FB2]  }
0x3d: {  	_ =	shalt  }
0x3e: {  	_ =	shalt  }
0x3f: {  	_ =	shalt  }
0x40: {  	_ =	shalt  }
0x41: {  	_ =	shalt  }
0x42: {  	_ =	shalt  }
0x43: {  	_ =	shalt  }
0x44: {  	_ =	shalt  }
0x45: {  	_ =	shalt  }
0x46: {  	_ =	shalt  }
0x47: {  	_ =	shalt  }
0x48: {  	_ =	shalt  }
0x49: {  	_ =	shalt  }
0x4a: {  	_ =	shalt  }
0x4b: {  	_ =	shalt  }
0x4c: {  	_ =	shalt  }
0x4d: {  	_ =	shalt  }
0x4e: {  	_ =	shalt  }
0x4f: {  	_ =	shalt  }
0x50: {  	_ =	shalt  }
0x51: {  	_ =	shalt  }
0x52: {  	_ =	shalt  }
0x53: {  	_ =	shalt  }
0x54: {  	_ =	shalt  }
0x55: {  	_ =	shalt  }
0x56: {  	_ =	shalt  }
0x57: {  	_ =	shalt  }
0x58: {  	_ =	shalt  }
0x59: {  	_ =	shalt  }
0x5a: {  	_ =	shalt  }
0x5b: {  	_ =	shalt  }
0x5c: {  	_ =	shalt  }
0x5d: {  	_ =	shalt  }
0x5e: {  	_ =	shalt  }
0x5f: {  	_ =	shalt  }
0x60: {  	_ =	shalt  }
0x61: {  	_ =	shalt  }
0x62: {  	_ =	shalt  }
0x63: {  	_ =	shalt  }
0x64: {  	_ =	shalt  }
0x65: {  	_ =	shalt  }
0x66: {  	_ =	shalt  }
0x67: {  	_ =	shalt  }
0x68: {  	_ =	shalt  }
0x69: {  	_ =	shalt  }
0x6a: {  	_ =	shalt  }
0x6b: {  	_ =	shalt  }
0x6c: {  	_ =	shalt  }
0x6d: {  	_ =	shalt  }
0x6e: {  	_ =	shalt  }
0x6f: {  	_ =	shalt  }
0x70: {  	_ =	shalt  }
0x71: {  	_ =	shalt  }
0x72: {  	_ =	shalt  }
0x73: {  	_ =	shalt  }
0x74: {  	_ =	shalt  }
0x75: {  	_ =	shalt  }
0x76: {  	_ =	shalt  }
0x77: {  	_ =	shalt  }
0x78: {  	_ =	shalt  }
0x79: {  	_ =	shalt  }
0x7a: {  	_ =	shalt  }
0x7b: {  	_ =	shalt  }
0x7c: {  	_ =	shalt  }
0x7d: {  	_ =	shalt  }
0x7e: {  	_ =	shalt  }
0x7f: {  	_ =	shalt  }
0x80: {  	_ =	shalt  }
0x81: {  	_ =	shalt  }
0x82: {  	_ =	shalt  }
0x83: {  	_ =	shalt  }
0x84: {  	_ =	shalt  }
0x85: {  	_ =	shalt  }
0x86: {  	_ =	shalt  }
0x87: {  	_ =	shalt  }
.Lfunc_end0:
.L_simem_size_0:
called_computation_lowered:
.L_overlay_start_0:
0x88: {  	s2 =	sld [smem:$0x3FD9]  }
0x89: {  	s3 =	sld [smem:$0x3FFE];
	_ =	sdelay $0x1  }
0x8a: {  	s1 =	srdreg.scid  }
0x8b: {  	s0 =	sand.u32 $0x1, s1  }
0x8c: {  	s17 =	sshll.u32 s0, $0xA;
	s2 =	sadd.s32 s3, s2  }
0x8d: {  	s2 =	sadd.s32 s2, s17  }
0x8e: {  	[smem:$0x3FBE] =	sst s2  }
0x8f: {  	_ = 	snop  }
0x90: {  	s2 =	sld [smem:$0x3FD0];
	(tm) =	ssettm $0x1  }
0x91: {  	s18 =	sld [smem:$0x3FFB];
	_ =	sdelay $0x3  }
0x92: {  	_ =	strace s18  }
0x93: {  	s3 =	sld [smem:$0x3FFC];
	_ =	sdelay $0x3  }
0x94: {  	_ =	strace s3  }
0x95: {  	s3 =	sld [smem:$0x3FFD];
	_ =	sdelay $0x3  }
0x96: {  	_ =	strace s3  }
0x97: {  	_ =	strace $0x8FFFFFFF  }
0x98: {  	s19 =	sld [smem:$0x3FDB];
	_ =	sdelay $0x1  }
0x99: {  	s4 =	simm.s32 $_scs_section_size  }
0x9a: {  	s5 =	simm.s32 $_size__tile_overlayer_lowered;
	s6 =	simm.s32 $_tile_overlayer_lowered  }
0x9b: {  	s22 =	simm.s32 $0x1BFF;
	s21 =	sshll.u32 s6, $0x1;
	s3 =	sadd.s32 s4, s19  }
0x9c: {  	s7 =	simm.s32 $0x0;
	s20 =	sshll.u32 s5, $0x1;
	s5 =	sadd.s32 s21, s3  }
0x9d: {  	[timem:s7], [sflag:s22] =	dma.local [hbm:s5], s20  }
0x9e: {  	_ =	swait.ge [sflag:s22], s20  }
0x9f: {  	s4 =	ssub.s32 $0x0, s20;
	[sflag:s22] =	ssyncset.done $0x0  }
0xa0: {  	[sflag:s22] =	ssyncadd.s32 s4;
	_ =	sdelay $0x1  }
0xa1: {  	s23 =	simm.s32 $0x1B8B  }
0xa2: {  	_ =	swait.ge [sflag:s23], $0x1  }
0xa3: {  	[sflag:s23] =	ssyncset.done $0x0  }
0xa4: {  	s25 =	simm.s32 $0x1B8E;
	s24 =	sld [smem:$0x3FFE];
	[sflag:s23] =	ssyncadd.s32 $0xFFFFFFFF  }
0xa5: {  	s26 =	simm.s32 $execute0_lowered;
	[smem:$0x3FD2] =	sst s25  }
0xa6: {  	s5 =	sshll.u32 s26, $0x1;
	_ =	strace $0x80000046;
	[dreg:$0x1] =	wrdreg $0xFFFFFFFF  }
0xa7: {  	s28 =	simm.s32 $_size_execute0_lowered;
	s3 =	sadd.s32 s3, s5;
	[dreg:$0x0] =	wrdreg $0x0  }
0xa8: {  	s5 =	sshll.u32 s28, $0x1;
	[dreg:$0x2] =	wrdreg s3  }
0xa9: {  	[dreg:$0x3] =	wrdreg s5  }
0xaa: {  	[dreg:$0x4] =	wrdreg $0xC0  }
0xab: {  	_ =	task [dreg:s7], $0x5FFFF  }
0xac: {  	[dreg:$0x1] =	wrdreg $0xFFFFFFFF  }
0xad: {  	[dreg:$0x0] =	wrdreg $0x60  }
0xae: {  	[dreg:$0x2] =	wrdreg s24  }
0xaf: {  	[dreg:$0x3] =	wrdreg s2  }
0xb0: {  	[dreg:$0x4] =	wrdreg $0xF3000  }
0xb1: {  	[dreg:$0x5] =	wrdreg $0x9  }
0xb2: {  	_ =	task.clear_ibuf [dreg:s7], $0x6FFFF;
	_ =	strace $0x90000046  }
0xb3: {  	s29 =	simm.s32 $0x9;
	_ =	strace $0x80000048  }
0xb4: {  	_ =	swait.ge [sflag:s29], $0x1  }
0xb5: {  	[sflag:s29] =	ssyncadd.s32 $0xFFFFFFFF  }
0xb6: {  	_ =	strace $0x90000048  }
0xb7: {  	_ =	sfence  }
0xb8: {  	s30 =	sld [smem:$0x0];
	_ =	sdelay $0x2  }
0xb9: {  	s31 =	sshll.u32 s1, $0xD;
	s1 =	sshrl.u32 s1, $0x2  }
0xba: {  	s3 =	sand.u32 $0x4000, s31;
	s1 =	sadd.s32 s1, s30  }
0xbb: {  	s0 =	sor.u32 s3, s0;
	s1 =	sshll.u32 s1, $0x11  }
0xbc: {  	s0 =	sor.u32 s1, s0  }
0xbd: {  	s0 =	sadd.s32 $0x8F2B, s0  }
0xbe: {  	[sflag:s0] =	ssyncadd.remote.s32 $0x1  }
0xbf: {  	_ =	sfence.sel $0xFFFF  }
0xc0: {  	[dreg:$0x0] =	wrdreg $0xFFFFFFFF;
	(pc) =	sbr.abs _section_cstart, $3  }
0xc1: {  	[dreg:$0x1] =	wrdreg $0xFFFFFFFF  }
0xc2: {  	_ =	task.clear_ibuf [dreg:s7], $0x2FFFF;
	_ =	strace $0x9FFFFFFF  }
0xc3: {  	(tm) =	ssettm $0x7FFFFFFF  }
tec
execute0_lowered:
.L_overlay_start_1:
0x0: {  	(tag) =	ssettag $0x1  }
0x1: {  	s4 =	rddreg [dreg:$0x0]  }
0x2: {  	s7 =	rddreg [dreg:$0x1]  }
0x3: {  	s0 =	srdreg.scid;
	s2 =	rddreg [dreg:$0x2]  }
0x4: {  	s3 =	simm.s32 $0x0;
	s13 =	simm.s32 $0x80;
	s14 =	simm.s32 $0x2  }
0x5: {  	s16 =	simm.s32 $0x3;
	s17 =	simm.s32 $0x0;
	s6 =	sand.u32 $0x1, s0  }
0x6: {  	s0 =	stileid.u32;
	[smem:$0x7FF] =	sst s3;
	s1 =	sshll.u32 s6, $0x4  }
0x7: {  	s9 =	ssub.s32 $0x2, s6;
	s10 =	sshll.u32 s0, $0xC;
	s30 =	sshll.u32 s0, $0xF  }
0x8: {  	s15 =	sshll.u32 s0, $0x6;
	s31 =	sshll.u32 s6, $0x10;
	s5 =	sor.u32 s0, s1  }
0x9: {  	s1 =	rddreg [dreg:$0x3];
	_ =	strace $0x80000047;
	s11 =	sshrl.u32 s9, $0x1  }
0xa: {  	s12 =	sadd.s32 s10, s4;
	s10 =	sadd.s32 s7, s10;
	s8 =	smul.u32 $0x1B00, s5  }
0xb: {  	s7 =	sor.u32 $0x1C01, s15;
	s15 =	sor.u32 $0x1C03, s15;
	s5 =	smul.u32 $0x360, s5  }
0xc: {  	s9 =	ssub.s32 s9, s11;
	s11 =	sadd.s32 s30, s2;
	s6 =	sadd.s32 $0x3E200, s12  }
0xd: {  	s12 =	simm.s32 $0x1;
	s9 =	smax.u32 s9, $0x1;
	s8 =	sadd.s32 s8, s4  }
0xe: {  	s11 =	sshrl.u32 s11, $0x3;
	s5 =	sadd.s32 s5, s4;
	s4 =	sadd.s32 $0x1600, s8  }
0xf: {  	s5 =	sadd.s32 $0x37600, s5;
	s8 =	sadd.s32 s31, s10;
	s10 =	simm.s32 $0xD800  }
.LBB2_1:
0x10: {  	[tilespmem:s3], [sflag:$0x1] =	stream.linear.gather [hbm4b:s4+s3], $0xD800, $0x38;
	[tilespmem:$0x17300] =	vst v63  }
0x11: {  	_ = 	snop  }
0x12: {  	[tilespmem:s10], [sflag:$0x1] =	stream.linear.gather [hbm4b:s5+s3], $0x1B00, $0x38;
	[tilespmem:$0x17300] =	vst v63  }
0x13: {  	[spmem:s11], [sflag:s7] =	dma.local [hbm:s6], $0x1000  }
0x14: {  	_ =	swait.ge [sflag:s12], $0xD800  }
0x15: {  	[sflag:s12] =	ssyncset.done $0x0  }
0x16: {  	[sflag:s12] =	ssyncadd.s32 $0xFFFF2800  }
0x17: {  	_ =	swait.ge [sflag:s12], $0x1B00  }
0x18: {  	[sflag:s12] =	ssyncset.done $0x0  }
0x19: {  	[sflag:s12] =	ssyncadd.s32 $0xFFFFE500  }
0x1a: {  	_ =	swait.ge [sflag:s12], $0x1000  }
0x1b: {  	[sflag:s12] =	ssyncset.done $0x0  }
0x1c: {  	[sflag:s12] =	ssyncadd.s32 $0xFFFFF000  }
0x1d: {  	s18 =	simm.s32 $0x0;
	s19 =	simm.s32 $0xD800;
	[bflag:$0x0] =	sbarrier.arrive $0xFFFF  }
0x1e: {  	[spmem:s2] =	stream.indirect.scatter.add.f32 [tilespmem:s18], [sflag:$0x2], $0x8, s19, s13, $0xb8;
	[tilespmem:$0x17300] =	vst v63  }
0x1f: {  	s21 =	simm.s32 $0x400;
	s22 =	simm.s32 $0xD880  }
0x20: {  	[spmem:s2] =	stream.indirect.scatter.add.f32 [tilespmem:s21], [sflag:$0x2], $0x8, s22, s13, $0xb8;
	[tilespmem:$0x17300] =	vst v63  }
0x21: {  	s23 =	simm.s32 $0x800;
	s24 =	simm.s32 $0xD900  }
0x22: {  	[spmem:s2] =	stream.indirect.scatter.add.f32 [tilespmem:s23], [sflag:$0x2], $0x8, s24, s13, $0xb8;
	[tilespmem:$0x17300] =	vst v63  }
0x23: {  	s25 =	simm.s32 $0xC00;
	s26 =	simm.s32 $0xD980  }
0x24: {  	[spmem:s2] =	stream.indirect.scatter.add.f32 [tilespmem:s25], [sflag:$0x2], $0x8, s26, s13, $0xb8;
	[tilespmem:$0x17300] =	vst v63  }
0x25: {  	s28 =	simm.s32 $0x1000;
	s29 =	simm.s32 $0xDA00  }
0x26: {  	[spmem:s2] =	stream.indirect.scatter.add.f32 [tilespmem:s28], [sflag:$0x2], $0x8, s29, s13, $0xb8;
	[tilespmem:$0x17300] =	vst v63  }
0x27: {  	s30 =	simm.s32 $0xDA80;
	s31 =	simm.s32 $0x1400  }
0x28: {  	[spmem:s2] =	stream.indirect.scatter.add.f32 [tilespmem:s31], [sflag:$0x2], $0x8, s30, s13, $0xb8;
	[tilespmem:$0x17300] =	vst v63  }
0x29: {  	_ =	swait.ge [sflag:s14], $0x400  }
0x2a: {  	[sflag:s14] =	ssyncset.done $0x0  }
0x2b: {  	[sflag:s14] =	ssyncadd.s32 $0xFFFFFC00  }
0x2c: {  	_ =	swait.ge [sflag:s14], $0x400  }
0x2d: {  	[sflag:s14] =	ssyncset.done $0x0  }
0x2e: {  	[sflag:s14] =	ssyncadd.s32 $0xFFFFFC00  }
0x2f: {  	_ =	swait.ge [sflag:s14], $0x400  }
0x30: {  	[sflag:s14] =	ssyncset.done $0x0  }
0x31: {  	[sflag:s14] =	ssyncadd.s32 $0xFFFFFC00  }
0x32: {  	_ =	swait.ge [sflag:s14], $0x400  }
0x33: {  	[sflag:s14] =	ssyncset.done $0x0  }
0x34: {  	[sflag:s14] =	ssyncadd.s32 $0xFFFFFC00  }
0x35: {  	_ =	swait.ge [sflag:s14], $0x400  }
0x36: {  	[sflag:s14] =	ssyncset.done $0x0  }
0x37: {  	[sflag:s14] =	ssyncadd.s32 $0xFFFFFC00  }
0x38: {  	s20 =	simm.s32 $0xC000;
	_ =	swait.ge [sflag:s14], $0x400  }
0x39: {  	s18 =	simm.s32 $0x1800;
	s19 =	simm.s32 $0xDD80;
	[sflag:s14] =	ssyncset.done $0x0  }
.LBB2_2:
0x3a: {  	s21 =	sshra.s32 s20, $0x2  }
0x3b: {  	s22 =	sadd.s32 $0xFFFFFD80, s19;
	[sflag:s14] =	ssyncadd.s32 $0xFFFFFC00;
	s23 =	smov.u32 s20  }
0x3c: {  	[spmem:s2] =	stream.indirect.scatter.add.f32 [tilespmem:s18], [sflag:$0x2], $0x8, s22, s13, $0xb8;
	[tilespmem:$0x17300] =	vst v63  }
0x3d: {  	s24 =	sadd.s32 $0xFFFFFE00, s19;
	s22 =	sadd.s32 $0x6000, s20;
	s23 =	sadd.s32 $0x400, s18  }
0x3e: {  	[spmem:s2] =	stream.indirect.scatter.add.f32 [tilespmem:s23], [sflag:$0x2], $0x8, s24, s13, $0xb8;
	[tilespmem:$0x17300] =	vst v63  }
0x3f: {  	p0 =	sne.s32 s20, $0x30000;
	s20 =	sadd.s32 $0x800, s18;
	s23 =	sadd.s32 $0xFFFFFE80, s19  }
0x40: {  	[spmem:s2] =	stream.indirect.scatter.add.f32 [tilespmem:s20], [sflag:$0x2], $0x8, s23, s13, $0xb8;
	[tilespmem:$0x17300] =	vst v63  }
0x41: {  	s20 =	sadd.s32 $0xC00, s18;
	s23 =	sadd.s32 $0xFFFFFF00, s19  }
0x42: {  	[spmem:s2] =	stream.indirect.scatter.add.f32 [tilespmem:s20], [sflag:$0x2], $0x8, s23, s13, $0xb8;
	[tilespmem:$0x17300] =	vst v63  }
0x43: {  	s20 =	sadd.s32 $0x1000, s18;
	s23 =	sadd.s32 $0xFFFFFF80, s19  }
0x44: {  	[spmem:s2] =	stream.indirect.scatter.add.f32 [tilespmem:s20], [sflag:$0x2], $0x8, s23, s13, $0xb8;
	[tilespmem:$0x17300] =	vst v63  }
0x45: {  	s20 =	sadd.s32 $0x1400, s18;
	s18 =	smov.u32 s21  }
0x46: {  	[spmem:s2] =	stream.indirect.scatter.add.f32 [tilespmem:s20], [sflag:$0x2], $0x8, s19, s13, $0xb8;
	[tilespmem:$0x17300] =	vst v63  }
0x47: {  	_ =	swait.ge [sflag:s14], $0x400  }
0x48: {  	[sflag:s14] =	ssyncset.done $0x0  }
0x49: {  	[sflag:s14] =	ssyncadd.s32 $0xFFFFFC00  }
0x4a: {  	_ =	swait.ge [sflag:s14], $0x400  }
0x4b: {  	[sflag:s14] =	ssyncset.done $0x0  }
0x4c: {  	[sflag:s14] =	ssyncadd.s32 $0xFFFFFC00  }
0x4d: {  	_ =	swait.ge [sflag:s14], $0x400  }
0x4e: {  	[sflag:s14] =	ssyncset.done $0x0  }
0x4f: {  	[sflag:s14] =	ssyncadd.s32 $0xFFFFFC00  }
0x50: {  	_ =	swait.ge [sflag:s14], $0x400  }
0x51: {  	[sflag:s14] =	ssyncset.done $0x0  }
0x52: {  	[sflag:s14] =	ssyncadd.s32 $0xFFFFFC00  }
.Ltmp0:
0x53: {  	_ =	swait.ge [sflag:s14], $0x400;
	(pc) =	sbr.rel @p0 .LBB2_2-.Ltmp0, $4  }
0x54: {  	[sflag:s14] =	ssyncset.done $0x0  }
0x55: {  	[sflag:s14] =	ssyncadd.s32 $0xFFFFFC00  }
0x56: {  	_ =	swait.ge [sflag:s14], $0x400  }
0x57: {  	s19 =	sadd.s32 $0x300, s19;
	s20 =	smov.u32 s22;
	[sflag:s14] =	ssyncset.done $0x0  }
0x58: {  	s20 =	sadd.s32 $0xFFFFFD80, s19;
	[sflag:s14] =	ssyncadd.s32 $0xFFFFFC00  }
0x59: {  	[spmem:s2] =	stream.indirect.scatter.add.f32 [tilespmem:s18], [sflag:$0x2], $0x8, s20, s13, $0xb8;
	[tilespmem:$0x17300] =	vst v63  }
0x5a: {  	s23 =	sadd.s32 $0x400, s18;
	s21 =	sadd.s32 $0xFFFFFE00, s19  }
0x5b: {  	[spmem:s2] =	stream.indirect.scatter.add.f32 [tilespmem:s23], [sflag:$0x2], $0x8, s21, s13, $0xb8;
	[tilespmem:$0x17300] =	vst v63  }
0x5c: {  	s24 =	sadd.s32 $0x800, s18;
	s25 =	sadd.s32 $0xFFFFFE80, s19  }
0x5d: {  	[spmem:s2] =	stream.indirect.scatter.add.f32 [tilespmem:s24], [sflag:$0x2], $0x8, s25, s13, $0xb8;
	[tilespmem:$0x17300] =	vst v63  }
0x5e: {  	s26 =	sadd.s32 $0xC00, s18;
	s28 =	sadd.s32 $0xFFFFFF00, s19  }
0x5f: {  	[spmem:s2] =	stream.indirect.scatter.add.f32 [tilespmem:s26], [sflag:$0x2], $0x8, s28, s13, $0xb8;
	[tilespmem:$0x17300] =	vst v63  }
0x60: {  	s29 =	sadd.s32 $0x1000, s18;
	s30 =	sadd.s32 $0xFFFFFF80, s19  }
0x61: {  	[spmem:s2] =	stream.indirect.scatter.add.f32 [tilespmem:s29], [sflag:$0x2], $0x8, s30, s13, $0xb8;
	[tilespmem:$0x17300] =	vst v63  }
0x62: {  	s31 =	sadd.s32 $0x1400, s18  }
0x63: {  	[spmem:s2] =	stream.indirect.scatter.add.f32 [tilespmem:s31], [sflag:$0x2], $0x8, s19, s13, $0xb8;
	[tilespmem:$0x17300] =	vst v63  }
0x64: {  	_ =	swait.ge [sflag:s14], $0x400  }
0x65: {  	[sflag:s14] =	ssyncset.done $0x0  }
0x66: {  	[sflag:s14] =	ssyncadd.s32 $0xFFFFFC00  }
0x67: {  	_ =	swait.ge [sflag:s14], $0x400  }
0x68: {  	[sflag:s14] =	ssyncset.done $0x0  }
0x69: {  	[sflag:s14] =	ssyncadd.s32 $0xFFFFFC00  }
0x6a: {  	_ =	swait.ge [sflag:s14], $0x400  }
0x6b: {  	[sflag:s14] =	ssyncset.done $0x0  }
0x6c: {  	[sflag:s14] =	ssyncadd.s32 $0xFFFFFC00  }
0x6d: {  	_ =	swait.ge [sflag:s14], $0x400  }
0x6e: {  	[sflag:s14] =	ssyncset.done $0x0  }
0x6f: {  	[sflag:s14] =	ssyncadd.s32 $0xFFFFFC00  }
0x70: {  	_ =	swait.ge [sflag:s14], $0x400  }
0x71: {  	[sflag:s14] =	ssyncset.done $0x0  }
0x72: {  	[sflag:s14] =	ssyncadd.s32 $0xFFFFFC00  }
0x73: {  	_ =	swait.ge [sflag:s14], $0x400  }
0x74: {  	s17 =	sadd.s32 $0x1, s17;
	[sflag:s14] =	ssyncset.done $0x0  }
0x75: {  	p0 =	sne.s32 s17, s9;
	[sflag:s14] =	ssyncadd.s32 $0xFFFFFC00  }
.Ltmp1:
0x76: {  	[bflag:$0x0] =	sbarrier.arrive $0xFFFF;
	(pc) =	sbr.rel @p0 .LBB2_1-.Ltmp1, $4  }
0x77: {  	[hbm:s8], [sflag:s15] =	dma.local [spmem:s11], $0x1000  }
0x78: {  	_ =	swait.ge [sflag:s16], $0x1000  }
0x79: {  	[sflag:s16] =	ssyncset.done $0x0  }
0x7a: {  	[sflag:s16] =	ssyncadd.s32 $0xFFFFF000  }
0x7b: {  	_ =	sfence.sel $0x180000  }
0x7c: {  	[bflag:$0x0] =	sbarrier.arrive $0xFFFF  }
0x7d: {  	p0 =	sne.s32 s0, $0x0;
	_ =	strace $0x90000047  }
0x7e: {  	s0 =	sadd.s32 @!p0 $0x100000, s1;
	[bflag:$0x2] =	sbarrier.arrive $0xFFFF  }
0x7f: {  	[sflag:s0] =	ssyncadd.tile.s32 @!p0 $0x1;
	_ =	shalt  }
.Lfunc_end2:
_tile_overlayer_lowered:
.L_overlay_start_2:
0x80: {  	(tag) =	ssettag $0x2  }
0x81: {  	s0 =	rddreg [dreg:$0x0];
	s2 =	stileid.u32  }
0x82: {  	s1 =	rddreg [dreg:$0x1];
	p0 =	sne.s32 s2, $0x0  }
0x83: {  	s3 =	rddreg [dreg:$0x2];
	[bflag:$0x3] =	sbarrier.arrive $0xFFFF;
	s2 =	simm.s32 @!p0 $0x1C03  }
0x84: {  	[timem:s3], [sflag:s2] =	dma.local @!p0 [hbm:s0], s1  }
0x85: {  	s0 =	simm.s32 @!p0 $0x3  }
0x86: {  	_ =	swait.ge @!p0 [sflag:s0], s1  }
0x87: {  	s1 =	ssub.s32 @!p0 $0x0, s1;
	[sflag:s0] =	ssyncset.done @!p0 $0x0  }
0x88: {  	[sflag:s0] =	ssyncadd.s32 @!p0 s1  }
0x89: {  	[bflag:$0x3] =	sbarrier.arrive $0xFFFF  }
0x8a: {  	_ =	shalt  }

</sc_bundles>
